<compile_context>
chip_gen: v7x
topology: tpu7x:2x2x1
jax: 0.10.2.dev20260603
libtpu: 0.0.44.dev20260713+nightly
codegen_flags: <defaults>
</compile_context>

<pallas_src>
import functools

import jax
import jax.numpy as jnp
from jax import lax
from jax.experimental import pallas as pl
from jax.experimental.pallas import tpu as pltpu
from jax.experimental.pallas import tpu_sc as plsc

N_EMB = 8192
DIM = 256
N_ROWS = 16384
XB = 2048
EB = 2048
NX = N_ROWS // XB
NE = N_EMB // EB
LOSS_SCALE = 1.25 / (N_ROWS * DIM)
WIN_B1 = 2736
WIN_B2 = 5472


NG = EB // 128


def _argmin_body(xb_ref, eb_ref, xsq_ref, esq_ref, idx_ref, loss_ref,
                 minval, minidx, vacc, gacc):
    j = pl.program_id(1)

    dots = lax.dot_general(
        xb_ref[...], eb_ref[...], (((1,), (1,)), ((), ())),
        preferred_element_type=jnp.float32,
    )
    scores = (xsq_ref[...] + esq_ref[...]) + dots

    lane = lax.broadcasted_iota(jnp.int32, (XB, 128), 1)
    inf = jnp.float32(jnp.inf)

    @pl.when(j == 0)
    def _():
        minval[...] = jnp.full_like(minval, jnp.inf)
        minidx[...] = jnp.zeros_like(minidx)
        vacc[...] = jnp.full_like(vacc, jnp.inf)
        gacc[...] = jnp.zeros_like(gacc)

    def upd_group(g, mask=None):
        sub = scores[:, g * 128:(g + 1) * 128]
        upd = sub < vacc[...]
        if mask is not None:
            upd = jnp.logical_and(upd, mask)
        gacc[...] = jnp.where(upd, j * NG + g, gacc[...])
        vacc[...] = jnp.where(upd, sub, vacc[...])

    def end_window(do_round):
        wmin = jnp.min(vacc[...], axis=1, keepdims=True)
        colfull = gacc[...] * 128 + lane
        wcol = jnp.min(jnp.where(vacc[...] == wmin, colfull, N_EMB),
                       axis=1, keepdims=True)
        if do_round:
            minval[...] = minval[...].astype(jnp.bfloat16).astype(jnp.float32)
        upd = wmin < minval[...]
        minidx[...] = jnp.where(upd, wcol, minidx[...])
        minval[...] = jnp.where(upd, wmin, minval[...])
        vacc[...] = jnp.full_like(vacc[...], jnp.inf)
        gacc[...] = jnp.zeros_like(gacc[...])

    @pl.when(j == 0)
    def _():
        for g in range(NG):
            upd_group(g)

    @pl.when(j == 1)
    def _():
        for g in range(5):
            upd_group(g)
        upd_group(5, mask=lane < 48)
        end_window(do_round=False)
        upd_group(5, mask=lane >= 48)
        for g in range(6, NG):
            upd_group(g)

    @pl.when(j == 2)
    def _():
        for g in range(10):
            upd_group(g)
        upd_group(10, mask=lane < 96)
        end_window(do_round=True)
        upd_group(10, mask=lane >= 96)
        for g in range(11, NG):
            upd_group(g)

    @pl.when(j == NE - 1)
    def _():
        for g in range(NG):
            upd_group(g)
        end_window(do_round=True)
        idx_ref[...] = minidx[...]
        i = pl.program_id(0)

        @pl.when(i == 0)
        def _():
            loss_ref[...] = jnp.zeros_like(loss_ref)

        loss_ref[...] += jnp.sum(minval[...]).reshape(1, 1)

        @pl.when(i == NX - 1)
        def _():
            loss_ref[...] = loss_ref[...] * LOSS_SCALE


def _tc_argmin(xb16, eb16, xsq2d, esq2d):
    return pl.pallas_call(
        _argmin_body,
        grid=(NX, NE),
        in_specs=[
            pl.BlockSpec((XB, DIM), lambda i, j: (i, 0)),
            pl.BlockSpec((EB, DIM), lambda i, j: (j, 0)),
            pl.BlockSpec((XB, 1), lambda i, j: (i, 0)),
            pl.BlockSpec((1, EB), lambda i, j: (0, j)),
        ],
        out_specs=[
            pl.BlockSpec((XB, 1), lambda i, j: (i, 0)),
            pl.BlockSpec((1, 1), lambda i, j: (0, 0)),
        ],
        out_shape=[
            jax.ShapeDtypeStruct((N_ROWS, 1), jnp.int32),
            jax.ShapeDtypeStruct((1, 1), jnp.float32),
        ],
        scratch_shapes=[
            pltpu.VMEM((XB, 1), jnp.float32),
            pltpu.VMEM((XB, 1), jnp.int32),
            pltpu.VMEM((XB, 128), jnp.float32),
            pltpu.VMEM((XB, 128), jnp.int32),
        ],
        compiler_params=pltpu.CompilerParams(
            dimension_semantics=("arbitrary", "arbitrary"),
        ),
    )(xb16, eb16, xsq2d, esq2d)


def _sc_gather(embedding, idx_flat):
    info = plsc.get_sparse_core_info()
    nw = info.num_cores * info.num_subcores
    b_per_w = N_ROWS // nw
    ch = 128
    n_ch = b_per_w // ch
    mesh = plsc.VectorSubcoreMesh(core_axis_name="c", subcore_axis_name="s")

    @functools.partial(
        pl.kernel,
        mesh=mesh,
        out_type=jax.ShapeDtypeStruct((N_ROWS, DIM), jnp.float32),
        scratch_types=[
            pltpu.VMEM((ch,), jnp.int32),
            pltpu.VMEM((ch, DIM), jnp.float32),
            pltpu.SemaphoreType.DMA,
        ],
    )
    def gather_k(table_hbm, idx_hbm, out_hbm, idx_v, rows_v, sem):
        wid = lax.axis_index("s") * info.num_cores + lax.axis_index("c")
        base = wid * b_per_w

        def body(c, carry):
            off = base + c * ch
            pltpu.sync_copy(idx_hbm.at[pl.ds(off, ch)], idx_v)
            pltpu.async_copy(table_hbm.at[idx_v], rows_v, sem).wait()
            pltpu.sync_copy(rows_v, out_hbm.at[pl.ds(off, ch)])
            return carry

        lax.fori_loop(0, n_ch, body, 0)

    return gather_k(embedding, idx_flat)


def kernel(inputs, embedding):
    flat = inputs.reshape(-1, DIM)
    xsq2d = jnp.sum(inputs * inputs, axis=2).reshape(N_ROWS, 1)
    esq2d = jnp.sum(embedding * embedding, axis=1).reshape(1, N_EMB)
    idx2d, loss11 = _tc_argmin(
        (flat * -2.0).astype(jnp.bfloat16), embedding.astype(jnp.bfloat16),
        xsq2d, esq2d)
    quant = _sc_gather(embedding, idx2d.reshape(-1))
    return (quant.reshape(inputs.shape), idx2d, loss11.reshape(()))

# --- scband reference (transcript-rebuilt; emitter-appended) ---
"""Pipeline reference for scband-vector-quantizer-18159121728134 (READ-ONLY COPY).

The authoritative reference and input builder live on the scoring server;
editing this copy changes nothing except your own understanding.
"""

import jax, jax.numpy as jnp
import numpy as np

NUM_EMBEDDINGS = 8192
EMBEDDING_DIM = 256
COMMITMENT_COST = 0.25


def setup_inputs(seed: int = 0) -> dict:
    key = jax.random.key(seed)
    k1, k2 = jax.random.split(key)
    inputs = jax.random.normal(k1, (16, 1024, 256), dtype=jnp.float32)
    embedding = jax.random.normal(k2, (NUM_EMBEDDINGS, EMBEDDING_DIM), dtype=jnp.float32)
    return {"inputs": inputs, "embedding": embedding}


def reference(inputs, embedding):
    flat_inputs = inputs.reshape(-1, EMBEDDING_DIM)
    distances = (
        jnp.sum(flat_inputs ** 2, axis=1, keepdims=True)
        + jnp.sum(embedding ** 2, axis=1)
        - 2.0 * jnp.matmul(flat_inputs, embedding.T)
    )
    encoding_indices = jnp.argmin(distances, axis=1)[:, None]
    quantized = jnp.take(embedding, encoding_indices, axis=0).reshape(inputs.shape)
    embedding_loss = jnp.mean((jax.lax.stop_gradient(quantized) - inputs) ** 2)
    commitment_loss = COMMITMENT_COST * jnp.mean((jax.lax.stop_gradient(inputs) - quantized) ** 2)
    quantized_st = inputs + jax.lax.stop_gradient(quantized - inputs)
    return (quantized_st, encoding_indices, embedding_loss + commitment_loss)

if __name__ == "__main__":
    import jax
    _d = setup_inputs()
    print(jax.jit(kernel)(*tuple(_d.values())))

</pallas_src>

<mosaic_0001>
#map = affine_map<(d0, d1) -> (0, 0)>
#map1 = affine_map<(d0, d1) -> (0)>
module attributes {stable_mosaic.version = 14 : i64} {
  func.func @gather_k(%arg0: i32, %arg1: i32, %arg2: memref<8192x256xf32, #tpu.memory_space<hbm>>, %arg3: memref<16384xi32, #tpu.memory_space<hbm>>, %arg4: memref<16384x256xf32, #tpu.memory_space<hbm>>, %arg5: memref<128xi32, #tpu.memory_space<vmem>>, %arg6: memref<128x256xf32, #tpu.memory_space<vmem>>, %arg7: memref<!tpu.dma_semaphore, #tpu.memory_space<semaphore_mem>>) attributes {dimension_semantics = [#tpu.dimension_semantics<core_parallel>, #tpu.dimension_semantics<subcore_parallel>], iteration_bounds = array<i64: 2, 16>, scalar_prefetch = 0 : i64, scratch_operands = 3 : i64, tpu.core_type = #tpu.core_type<sc_vector_subcore>, window_params = [{transform_indices = #map}, {transform_indices = #map1}, {transform_indices = #map}]} {
    %mul3A = arith.constant 2 : i32
    %mul3A_0 = arith.muli %arg1, %mul3A : i32
    %add3A = arith.addi %mul3A_0, %arg0 : i32
    %mul3A_1 = arith.constant 512 : i32
    %mul3A_2 = arith.muli %add3A, %mul3A_1 : i32
    %scan3A = arith.constant 0 : i32
    %scan3A_3 = arith.constant 0 : i32
    %scan3A_4 = arith.constant 4 : i32
    %scan3A_5 = arith.addi %scan3A_3, %scan3A_4 : i32
    %scan3A_6 = arith.constant 1 : i32
    scf.for %scan3A_8 = %scan3A_3 to %scan3A_5 step %scan3A_6  : i32 {
      %mul3A_9 = arith.constant 128 : i32
      %mul3A_10 = arith.muli %scan3A_8, %mul3A_9 : i32
      %add3A_11 = arith.addi %mul3A_2, %mul3A_10 : i32
      "tpu.region"() ({
        %run_scoped3A = tpu.sem_alloc : memref<!tpu.dma_semaphore, #tpu.memory_space<semaphore_mem>>
        %dma_start3A_16 = tpu.memref_slice %arg3[%add3A_11] : memref<16384xi32, #tpu.memory_space<hbm>> -> memref<128xi32, #tpu.memory_space<hbm>>
        %dma_start3A_17 = tpu.memref_slice %arg3[%add3A_11] : memref<16384xi32, #tpu.memory_space<hbm>> -> memref<128xi32, #tpu.memory_space<hbm>>
        tpu.enqueue_dma source(%dma_start3A_17 : memref<128xi32, #tpu.memory_space<hbm>>) target(%arg5 : memref<128xi32, #tpu.memory_space<vmem>>) target_semaphore(%run_scoped3A : memref<!tpu.dma_semaphore, #tpu.memory_space<semaphore_mem>>)
        %dma_wait3A_18 = tpu.memref_slice %arg3[%add3A_11] : memref<16384xi32, #tpu.memory_space<hbm>> -> memref<128xi32, #tpu.memory_space<hbm>>
        %dma_wait3A_19 = tpu.memref_slice %arg3[%add3A_11] : memref<16384xi32, #tpu.memory_space<hbm>> -> memref<128xi32, #tpu.memory_space<hbm>>
        tpu.wait_dma2 semaphore(%run_scoped3A : memref<!tpu.dma_semaphore, #tpu.memory_space<semaphore_mem>>) src(%dma_wait3A_19 : memref<128xi32, #tpu.memory_space<hbm>>) dst(%arg5 : memref<128xi32, #tpu.memory_space<vmem>>)
        tpu.yield
      }) : () -> ()
      %dma_start3A = arith.constant 0 : i32
      %dma_start3A_12 = arith.constant 0 : i32
      %dma_start3A_13 = tpu.memref_slice %arg2[%dma_start3A, %dma_start3A_12] : memref<8192x256xf32, #tpu.memory_space<hbm>> -> memref<8192x256xf32, #tpu.memory_space<hbm>>
      tpu.enqueue_indirect_dma source(%dma_start3A_13 : memref<8192x256xf32, #tpu.memory_space<hbm>>) target(%arg6 : memref<128x256xf32, #tpu.memory_space<vmem>>) offsets(%arg5 : memref<128xi32, #tpu.memory_space<vmem>>) semaphore(%arg7 : memref<!tpu.dma_semaphore, #tpu.memory_space<semaphore_mem>>)
      %dma_wait3A = arith.constant 0 : i32
      %dma_wait3A_14 = arith.constant 0 : i32
      %dma_wait3A_15 = tpu.memref_slice %arg2[%dma_wait3A, %dma_wait3A_14] : memref<8192x256xf32, #tpu.memory_space<hbm>> -> memref<8192x256xf32, #tpu.memory_space<hbm>>
      tpu.wait_indirect_dma semaphore(%arg7 : memref<!tpu.dma_semaphore, #tpu.memory_space<semaphore_mem>>) src(%dma_wait3A_15 : memref<8192x256xf32, #tpu.memory_space<hbm>>) dst(%arg6 : memref<128x256xf32, #tpu.memory_space<vmem>>)
      "tpu.region"() ({
        %run_scoped3A = tpu.sem_alloc : memref<!tpu.dma_semaphore, #tpu.memory_space<semaphore_mem>>
        %dma_start3A_16 = arith.constant 0 : i32
        %dma_start3A_17 = tpu.memref_slice %arg4[%add3A_11, %dma_start3A_16] : memref<16384x256xf32, #tpu.memory_space<hbm>> -> memref<128x256xf32, #tpu.memory_space<hbm>>
        %dma_start3A_18 = arith.constant 0 : i32
        %dma_start3A_19 = tpu.memref_slice %arg4[%add3A_11, %dma_start3A_18] : memref<16384x256xf32, #tpu.memory_space<hbm>> -> memref<128x256xf32, #tpu.memory_space<hbm>>
        tpu.enqueue_dma source(%arg6 : memref<128x256xf32, #tpu.memory_space<vmem>>) target(%dma_start3A_19 : memref<128x256xf32, #tpu.memory_space<hbm>>) target_semaphore(%run_scoped3A : memref<!tpu.dma_semaphore, #tpu.memory_space<semaphore_mem>>)
        %dma_wait3A_20 = arith.constant 0 : i32
        %dma_wait3A_21 = tpu.memref_slice %arg4[%add3A_11, %dma_wait3A_20] : memref<16384x256xf32, #tpu.memory_space<hbm>> -> memref<128x256xf32, #tpu.memory_space<hbm>>
        %dma_wait3A_22 = arith.constant 0 : i32
        %dma_wait3A_23 = tpu.memref_slice %arg4[%add3A_11, %dma_wait3A_22] : memref<16384x256xf32, #tpu.memory_space<hbm>> -> memref<128x256xf32, #tpu.memory_space<hbm>>
        tpu.wait_dma2 semaphore(%run_scoped3A : memref<!tpu.dma_semaphore, #tpu.memory_space<semaphore_mem>>) src(%arg6 : memref<128x256xf32, #tpu.memory_space<vmem>>) dst(%dma_wait3A_23 : memref<128x256xf32, #tpu.memory_space<hbm>>)
        tpu.yield
      }) : () -> ()
    }
    %scan3A_7 = arith.constant 4 : i32
    return
  }
}

module attributes {stable_mosaic.version = 14 : i64} {
  func.func @_argmin_body(%arg0: i32, %arg1: i32, %arg2: memref<2048x256xbf16, #tpu.memory_space<vmem>>, %arg3: memref<2048x256xbf16, #tpu.memory_space<vmem>>, %arg4: memref<2048x1xf32, #tpu.memory_space<vmem>>, %arg5: memref<1x2048xf32, #tpu.memory_space<vmem>>, %arg6: memref<2048x1xi32, #tpu.memory_space<vmem>>, %arg7: memref<1x1xf32, #tpu.memory_space<vmem>>, %arg8: memref<2048x1xf32, #tpu.memory_space<vmem>>, %arg9: memref<2048x1xi32, #tpu.memory_space<vmem>>, %arg10: memref<2048x128xf32, #tpu.memory_space<vmem>>, %arg11: memref<2048x128xi32, #tpu.memory_space<vmem>>) attributes {dimension_semantics = [#tpu.dimension_semantics<arbitrary>, #tpu.dimension_semantics<arbitrary>], iteration_bounds = array<i64: 8, 4>, scalar_prefetch = 0 : i64, scratch_operands = 4 : i64, tpu.core_type = #tpu.core_type<tc>, window_params = [{transform_indices = @transform_0, window_bounds = array<i64: 2048, 256>}, {transform_indices = @transform_1, window_bounds = array<i64: 2048, 256>}, {transform_indices = @transform_2, window_bounds = array<i64: 2048, 1>}, {transform_indices = @transform_3, window_bounds = array<i64: 1, 2048>}, {transform_indices = @transform_4, window_bounds = array<i64: 2048, 1>}, {pipeline_mode = #tpu.pipeline_mode<synchronous>, transform_indices = @transform_5, window_bounds = array<i64: 1, 1>}]} {
    %get3A = arith.constant 0 : index
    %get3A_0 = arith.constant 0 : index
    %get3A_1 = vector.load %arg2[%get3A, %get3A_0] : memref<2048x256xbf16, #tpu.memory_space<vmem>>, vector<2048x256xbf16>
    %get3A_2 = arith.constant 0 : index
    %get3A_3 = arith.constant 0 : index
    %get3A_4 = vector.load %arg3[%get3A_2, %get3A_3] : memref<2048x256xbf16, #tpu.memory_space<vmem>>, vector<2048x256xbf16>
    %dot_general3A = arith.constant dense<0.000000e+00> : vector<2048x2048xf32>
    %dot_general3A_5 = tpu.matmul %get3A_1, %get3A_4, %dot_general3A {dimension_numbers = #tpu.dot_dimension_numbers<[1], [1], [0], [0], [0, 0, 1, 0], [], []>, transpose_lhs_hint = false} : vector<2048x256xbf16>, vector<2048x256xbf16>, vector<2048x2048xf32> -> vector<2048x2048xf32>
    %get3A_6 = arith.constant 0 : index
    %get3A_7 = arith.constant 0 : index
    %get3A_8 = vector.load %arg4[%get3A_6, %get3A_7] : memref<2048x1xf32, #tpu.memory_space<vmem>>, vector<2048x1xf32>
    %get3A_9 = arith.constant 0 : index
    %get3A_10 = arith.constant 0 : index
    %get3A_11 = vector.load %arg5[%get3A_9, %get3A_10] : memref<1x2048xf32, #tpu.memory_space<vmem>>, vector<1x2048xf32>
    %add3A = vector.broadcast %get3A_8 : vector<2048x1xf32> to vector<2048x2048xf32>
    %add3A_12 = vector.broadcast %get3A_11 : vector<1x2048xf32> to vector<2048x2048xf32>
    %add3A_13 = arith.addf %add3A, %add3A_12 : vector<2048x2048xf32>
    %add3A_14 = arith.addf %add3A_13, %dot_general3A_5 : vector<2048x2048xf32>
    %iota3A = tpu.iota {dimensions = array<i32: 1>} : vector<2048x128xi32>
    %eq3A = arith.constant 0 : i32
    %eq3A_15 = arith.cmpi eq, %arg1, %eq3A : i32
    %convert_element_type3A = arith.extui %eq3A_15 : i1 to i32
    %cond3A = arith.constant 0 : i32
    %cond3A_16 = arith.cmpi ne, %convert_element_type3A, %cond3A : i32
    scf.if %cond3A_16 {
      %broadcast_in_dim3A = arith.constant 0x7F800000 : f32
      %broadcast_in_dim3A_37 = vector.broadcast %broadcast_in_dim3A : f32 to vector<2048x1xf32>
      %swap3A = arith.constant 0 : index
      %swap3A_38 = arith.constant 0 : index
      %swap3A_39 = vector.load %arg8[%swap3A, %swap3A_38] : memref<2048x1xf32, #tpu.memory_space<vmem>>, vector<2048x1xf32>
      tpu.vector_store %arg8[%swap3A, %swap3A_38], %broadcast_in_dim3A_37 {strides = array<i32>} : memref<2048x1xf32, #tpu.memory_space<vmem>>, vector<2048x1xf32>,
      %broadcast_in_dim3A_40 = arith.constant 0 : i32
      %broadcast_in_dim3A_41 = vector.broadcast %broadcast_in_dim3A_40 : i32 to vector<2048x1xi32>
      %swap3A_42 = arith.constant 0 : index
      %swap3A_43 = arith.constant 0 : index
      %swap3A_44 = vector.load %arg9[%swap3A_42, %swap3A_43] : memref<2048x1xi32, #tpu.memory_space<vmem>>, vector<2048x1xi32>
      tpu.vector_store %arg9[%swap3A_42, %swap3A_43], %broadcast_in_dim3A_41 {strides = array<i32>} : memref<2048x1xi32, #tpu.memory_space<vmem>>, vector<2048x1xi32>,
      %broadcast_in_dim3A_45 = arith.constant 0x7F800000 : f32
      %broadcast_in_dim3A_46 = vector.broadcast %broadcast_in_dim3A_45 : f32 to vector<2048x128xf32>
      %swap3A_47 = arith.constant 0 : index
      %swap3A_48 = arith.constant 0 : index
      %swap3A_49 = vector.load %arg10[%swap3A_47, %swap3A_48] : memref<2048x128xf32, #tpu.memory_space<vmem>>, vector<2048x128xf32>
      tpu.vector_store %arg10[%swap3A_47, %swap3A_48], %broadcast_in_dim3A_46 {strides = array<i32>} : memref<2048x128xf32, #tpu.memory_space<vmem>>, vector<2048x128xf32>,
      %broadcast_in_dim3A_50 = arith.constant 0 : i32
      %broadcast_in_dim3A_51 = vector.broadcast %broadcast_in_dim3A_50 : i32 to vector<2048x128xi32>
      %swap3A_52 = arith.constant 0 : index
      %swap3A_53 = arith.constant 0 : index
      %swap3A_54 = vector.load %arg11[%swap3A_52, %swap3A_53] : memref<2048x128xi32, #tpu.memory_space<vmem>>, vector<2048x128xi32>
      tpu.vector_store %arg11[%swap3A_52, %swap3A_53], %broadcast_in_dim3A_51 {strides = array<i32>} : memref<2048x128xi32, #tpu.memory_space<vmem>>, vector<2048x128xi32>,
    } else {
    }
    %eq3A_17 = arith.constant 0 : i32
    %eq3A_18 = arith.cmpi eq, %arg1, %eq3A_17 : i32
    %convert_element_type3A_19 = arith.extui %eq3A_18 : i1 to i32
    %cond3A_20 = arith.constant 0 : i32
    %cond3A_21 = arith.cmpi ne, %convert_element_type3A_19, %cond3A_20 : i32
    scf.if %cond3A_21 {
      %slice3A = vector.extract_strided_slice %add3A_14 {offsets = [0, 0], sizes = [2048, 128], strides = [1, 1]} : vector<2048x2048xf32> to vector<2048x128xf32>
      %get3A_37 = arith.constant 0 : index
      %get3A_38 = arith.constant 0 : index
      %get3A_39 = vector.load %arg10[%get3A_37, %get3A_38] : memref<2048x128xf32, #tpu.memory_space<vmem>>, vector<2048x128xf32>
      %lt3A = arith.cmpf olt, %slice3A, %get3A_39 : vector<2048x128xf32>
      %mul3A = arith.constant 16 : i32
      %mul3A_40 = arith.muli %arg1, %mul3A : i32
      %add3A_41 = arith.constant 0 : i32
      %add3A_42 = arith.addi %mul3A_40, %add3A_41 : i32
      %get3A_43 = arith.constant 0 : index
      %get3A_44 = arith.constant 0 : index
      %get3A_45 = vector.load %arg11[%get3A_43, %get3A_44] : memref<2048x128xi32, #tpu.memory_space<vmem>>, vector<2048x128xi32>
      %broadcast_in_dim3A = vector.broadcast %add3A_42 : i32 to vector<2048x128xi32>
      %select_n3A = arith.select %lt3A, %broadcast_in_dim3A, %get3A_45 : vector<2048x128xi1>, vector<2048x128xi32>
      %swap3A = arith.constant 0 : index
      %swap3A_46 = arith.constant 0 : index
      %swap3A_47 = vector.load %arg11[%swap3A, %swap3A_46] : memref<2048x128xi32, #tpu.memory_space<vmem>>, vector<2048x128xi32>
      tpu.vector_store %arg11[%swap3A, %swap3A_46], %select_n3A {strides = array<i32>} : memref<2048x128xi32, #tpu.memory_space<vmem>>, vector<2048x128xi32>,
      %get3A_48 = arith.constant 0 : index
      %get3A_49 = arith.constant 0 : index
      %get3A_50 = vector.load %arg10[%get3A_48, %get3A_49] : memref<2048x128xf32, #tpu.memory_space<vmem>>, vector<2048x128xf32>
      %select_n3A_51 = arith.select %lt3A, %slice3A, %get3A_50 : vector<2048x128xi1>, vector<2048x128xf32>
      %swap3A_52 = arith.constant 0 : index
      %swap3A_53 = arith.constant 0 : index
      %swap3A_54 = vector.load %arg10[%swap3A_52, %swap3A_53] : memref<2048x128xf32, #tpu.memory_space<vmem>>, vector<2048x128xf32>
      tpu.vector_store %arg10[%swap3A_52, %swap3A_53], %select_n3A_51 {strides = array<i32>} : memref<2048x128xf32, #tpu.memory_space<vmem>>, vector<2048x128xf32>,
      %slice3A_55 = vector.extract_strided_slice %add3A_14 {offsets = [0, 128], sizes = [2048, 128], strides = [1, 1]} : vector<2048x2048xf32> to vector<2048x128xf32>
      %get3A_56 = arith.constant 0 : index
      %get3A_57 = arith.constant 0 : index
      %get3A_58 = vector.load %arg10[%get3A_56, %get3A_57] : memref<2048x128xf32, #tpu.memory_space<vmem>>, vector<2048x128xf32>
      %lt3A_59 = arith.cmpf olt, %slice3A_55, %get3A_58 : vector<2048x128xf32>
      %mul3A_60 = arith.constant 16 : i32
      %mul3A_61 = arith.muli %arg1, %mul3A_60 : i32
      %add3A_62 = arith.constant 1 : i32
      %add3A_63 = arith.addi %mul3A_61, %add3A_62 : i32
      %get3A_64 = arith.constant 0 : index
      %get3A_65 = arith.constant 0 : index
      %get3A_66 = vector.load %arg11[%get3A_64, %get3A_65] : memref<2048x128xi32, #tpu.memory_space<vmem>>, vector<2048x128xi32>
      %broadcast_in_dim3A_67 = vector.broadcast %add3A_63 : i32 to vector<2048x128xi32>
      %select_n3A_68 = arith.select %lt3A_59, %broadcast_in_dim3A_67, %get3A_66 : vector<2048x128xi1>, vector<2048x128xi32>
      %swap3A_69 = arith.constant 0 : index
      %swap3A_70 = arith.constant 0 : index
      %swap3A_71 = vector.load %arg11[%swap3A_69, %swap3A_70] : memref<2048x128xi32, #tpu.memory_space<vmem>>, vector<2048x128xi32>
      tpu.vector_store %arg11[%swap3A_69, %swap3A_70], %select_n3A_68 {strides = array<i32>} : memref<2048x128xi32, #tpu.memory_space<vmem>>, vector<2048x128xi32>,
      %get3A_72 = arith.constant 0 : index
      %get3A_73 = arith.constant 0 : index
      %get3A_74 = vector.load %arg10[%get3A_72, %get3A_73] : memref<2048x128xf32, #tpu.memory_space<vmem>>, vector<2048x128xf32>
      %select_n3A_75 = arith.select %lt3A_59, %slice3A_55, %get3A_74 : vector<2048x128xi1>, vector<2048x128xf32>
      %swap3A_76 = arith.constant 0 : index
      %swap3A_77 = arith.constant 0 : index
      %swap3A_78 = vector.load %arg10[%swap3A_76, %swap3A_77] : memref<2048x128xf32, #tpu.memory_space<vmem>>, vector<2048x128xf32>
      tpu.vector_store %arg10[%swap3A_76, %swap3A_77], %select_n3A_75 {strides = array<i32>} : memref<2048x128xf32, #tpu.memory_space<vmem>>, vector<2048x128xf32>,
      %slice3A_79 = vector.extract_strided_slice %add3A_14 {offsets = [0, 256], sizes = [2048, 128], strides = [1, 1]} : vector<2048x2048xf32> to vector<2048x128xf32>
      %get3A_80 = arith.constant 0 : index
      %get3A_81 = arith.constant 0 : index
      %get3A_82 = vector.load %arg10[%get3A_80, %get3A_81] : memref<2048x128xf32, #tpu.memory_space<vmem>>, vector<2048x128xf32>
      %lt3A_83 = arith.cmpf olt, %slice3A_79, %get3A_82 : vector<2048x128xf32>
      %mul3A_84 = arith.constant 16 : i32
      %mul3A_85 = arith.muli %arg1, %mul3A_84 : i32
      %add3A_86 = arith.constant 2 : i32
      %add3A_87 = arith.addi %mul3A_85, %add3A_86 : i32
      %get3A_88 = arith.constant 0 : index
      %get3A_89 = arith.constant 0 : index
      %get3A_90 = vector.load %arg11[%get3A_88, %get3A_89] : memref<2048x128xi32, #tpu.memory_space<vmem>>, vector<2048x128xi32>
      %broadcast_in_dim3A_91 = vector.broadcast %add3A_87 : i32 to vector<2048x128xi32>
      %select_n3A_92 = arith.select %lt3A_83, %broadcast_in_dim3A_91, %get3A_90 : vector<2048x128xi1>, vector<2048x128xi32>
      %swap3A_93 = arith.constant 0 : index
      %swap3A_94 = arith.constant 0 : index
      %swap3A_95 = vector.load %arg11[%swap3A_93, %swap3A_94] : memref<2048x128xi32, #tpu.memory_space<vmem>>, vector<2048x128xi32>
      tpu.vector_store %arg11[%swap3A_93, %swap3A_94], %select_n3A_92 {strides = array<i32>} : memref<2048x128xi32, #tpu.memory_space<vmem>>, vector<2048x128xi32>,
      %get3A_96 = arith.constant 0 : index
      %get3A_97 = arith.constant 0 : index
      %get3A_98 = vector.load %arg10[%get3A_96, %get3A_97] : memref<2048x128xf32, #tpu.memory_space<vmem>>, vector<2048x128xf32>
      %select_n3A_99 = arith.select %lt3A_83, %slice3A_79, %get3A_98 : vector<2048x128xi1>, vector<2048x128xf32>
      %swap3A_100 = arith.constant 0 : index
      %swap3A_101 = arith.constant 0 : index
      %swap3A_102 = vector.load %arg10[%swap3A_100, %swap3A_101] : memref<2048x128xf32, #tpu.memory_space<vmem>>, vector<2048x128xf32>
      tpu.vector_store %arg10[%swap3A_100, %swap3A_101], %select_n3A_99 {strides = array<i32>} : memref<2048x128xf32, #tpu.memory_space<vmem>>, vector<2048x128xf32>,
      %slice3A_103 = vector.extract_strided_slice %add3A_14 {offsets = [0, 384], sizes = [2048, 128], strides = [1, 1]} : vector<2048x2048xf32> to vector<2048x128xf32>
      %get3A_104 = arith.constant 0 : index
      %get3A_105 = arith.constant 0 : index
      %get3A_106 = vector.load %arg10[%get3A_104, %get3A_105] : memref<2048x128xf32, #tpu.memory_space<vmem>>, vector<2048x128xf32>
      %lt3A_107 = arith.cmpf olt, %slice3A_103, %get3A_106 : vector<2048x128xf32>
      %mul3A_108 = arith.constant 16 : i32
      %mul3A_109 = arith.muli %arg1, %mul3A_108 : i32
      %add3A_110 = arith.constant 3 : i32
      %add3A_111 = arith.addi %mul3A_109, %add3A_110 : i32
      %get3A_112 = arith.constant 0 : index
      %get3A_113 = arith.constant 0 : index
      %get3A_114 = vector.load %arg11[%get3A_112, %get3A_113] : memref<2048x128xi32, #tpu.memory_space<vmem>>, vector<2048x128xi32>
      %broadcast_in_dim3A_115 = vector.broadcast %add3A_111 : i32 to vector<2048x128xi32>
      %select_n3A_116 = arith.select %lt3A_107, %broadcast_in_dim3A_115, %get3A_114 : vector<2048x128xi1>, vector<2048x128xi32>
      %swap3A_117 = arith.constant 0 : index
      %swap3A_118 = arith.constant 0 : index
      %swap3A_119 = vector.load %arg11[%swap3A_117, %swap3A_118] : memref<2048x128xi32, #tpu.memory_space<vmem>>, vector<2048x128xi32>
      tpu.vector_store %arg11[%swap3A_117, %swap3A_118], %select_n3A_116 {strides = array<i32>} : memref<2048x128xi32, #tpu.memory_space<vmem>>, vector<2048x128xi32>,
      %get3A_120 = arith.constant 0 : index
      %get3A_121 = arith.constant 0 : index
      %get3A_122 = vector.load %arg10[%get3A_120, %get3A_121] : memref<2048x128xf32, #tpu.memory_space<vmem>>, vector<2048x128xf32>
      %select_n3A_123 = arith.select %lt3A_107, %slice3A_103, %get3A_122 : vector<2048x128xi1>, vector<2048x128xf32>
      %swap3A_124 = arith.constant 0 : index
      %swap3A_125 = arith.constant 0 : index
      %swap3A_126 = vector.load %arg10[%swap3A_124, %swap3A_125] : memref<2048x128xf32, #tpu.memory_space<vmem>>, vector<2048x128xf32>
      tpu.vector_store %arg10[%swap3A_124, %swap3A_125], %select_n3A_123 {strides = array<i32>} : memref<2048x128xf32, #tpu.memory_space<vmem>>, vector<2048x128xf32>,
      %slice3A_127 = vector.extract_strided_slice %add3A_14 {offsets = [0, 512], sizes = [2048, 128], strides = [1, 1]} : vector<2048x2048xf32> to vector<2048x128xf32>
      %get3A_128 = arith.constant 0 : index
      %get3A_129 = arith.constant 0 : index
      %get3A_130 = vector.load %arg10[%get3A_128, %get3A_129] : memref<2048x128xf32, #tpu.memory_space<vmem>>, vector<2048x128xf32>
      %lt3A_131 = arith.cmpf olt, %slice3A_127, %get3A_130 : vector<2048x128xf32>
      %mul3A_132 = arith.constant 16 : i32
      %mul3A_133 = arith.muli %arg1, %mul3A_132 : i32
      %add3A_134 = arith.constant 4 : i32
      %add3A_135 = arith.addi %mul3A_133, %add3A_134 : i32
      %get3A_136 = arith.constant 0 : index
      %get3A_137 = arith.constant 0 : index
      %get3A_138 = vector.load %arg11[%get3A_136, %get3A_137] : memref<2048x128xi32, #tpu.memory_space<vmem>>, vector<2048x128xi32>
      %broadcast_in_dim3A_139 = vector.broadcast %add3A_135 : i32 to vector<2048x128xi32>
      %select_n3A_140 = arith.select %lt3A_131, %broadcast_in_dim3A_139, %get3A_138 : vector<2048x128xi1>, vector<2048x128xi32>
      %swap3A_141 = arith.constant 0 : index
      %swap3A_142 = arith.constant 0 : index
      %swap3A_143 = vector.load %arg11[%swap3A_141, %swap3A_142] : memref<2048x128xi32, #tpu.memory_space<vmem>>, vector<2048x128xi32>
      tpu.vector_store %arg11[%swap3A_141, %swap3A_142], %select_n3A_140 {strides = array<i32>} : memref<2048x128xi32, #tpu.memory_space<vmem>>, vector<2048x128xi32>,
      %get3A_144 = arith.constant 0 : index
      %get3A_145 = arith.constant 0 : index
      %get3A_146 = vector.load %arg10[%get3A_144, %get3A_145] : memref<2048x128xf32, #tpu.memory_space<vmem>>, vector<2048x128xf32>
      %select_n3A_147 = arith.select %lt3A_131, %slice3A_127, %get3A_146 : vector<2048x128xi1>, vector<2048x128xf32>
      %swap3A_148 = arith.constant 0 : index
      %swap3A_149 = arith.constant 0 : index
      %swap3A_150 = vector.load %arg10[%swap3A_148, %swap3A_149] : memref<2048x128xf32, #tpu.memory_space<vmem>>, vector<2048x128xf32>
      tpu.vector_store %arg10[%swap3A_148, %swap3A_149], %select_n3A_147 {strides = array<i32>} : memref<2048x128xf32, #tpu.memory_space<vmem>>, vector<2048x128xf32>,
      %slice3A_151 = vector.extract_strided_slice %add3A_14 {offsets = [0, 640], sizes = [2048, 128], strides = [1, 1]} : vector<2048x2048xf32> to vector<2048x128xf32>
      %get3A_152 = arith.constant 0 : index
      %get3A_153 = arith.constant 0 : index
      %get3A_154 = vector.load %arg10[%get3A_152, %get3A_153] : memref<2048x128xf32, #tpu.memory_space<vmem>>, vector<2048x128xf32>
      %lt3A_155 = arith.cmpf olt, %slice3A_151, %get3A_154 : vector<2048x128xf32>
      %mul3A_156 = arith.constant 16 : i32
      %mul3A_157 = arith.muli %arg1, %mul3A_156 : i32
      %add3A_158 = arith.constant 5 : i32
      %add3A_159 = arith.addi %mul3A_157, %add3A_158 : i32
      %get3A_160 = arith.constant 0 : index
      %get3A_161 = arith.constant 0 : index
      %get3A_162 = vector.load %arg11[%get3A_160, %get3A_161] : memref<2048x128xi32, #tpu.memory_space<vmem>>, vector<2048x128xi32>
      %broadcast_in_dim3A_163 = vector.broadcast %add3A_159 : i32 to vector<2048x128xi32>
      %select_n3A_164 = arith.select %lt3A_155, %broadcast_in_dim3A_163, %get3A_162 : vector<2048x128xi1>, vector<2048x128xi32>
      %swap3A_165 = arith.constant 0 : index
      %swap3A_166 = arith.constant 0 : index
      %swap3A_167 = vector.load %arg11[%swap3A_165, %swap3A_166] : memref<2048x128xi32, #tpu.memory_space<vmem>>, vector<2048x128xi32>
      tpu.vector_store %arg11[%swap3A_165, %swap3A_166], %select_n3A_164 {strides = array<i32>} : memref<2048x128xi32, #tpu.memory_space<vmem>>, vector<2048x128xi32>,
      %get3A_168 = arith.constant 0 : index
      %get3A_169 = arith.constant 0 : index
      %get3A_170 = vector.load %arg10[%get3A_168, %get3A_169] : memref<2048x128xf32, #tpu.memory_space<vmem>>, vector<2048x128xf32>
      %select_n3A_171 = arith.select %lt3A_155, %slice3A_151, %get3A_170 : vector<2048x128xi1>, vector<2048x128xf32>
      %swap3A_172 = arith.constant 0 : index
      %swap3A_173 = arith.constant 0 : index
      %swap3A_174 = vector.load %arg10[%swap3A_172, %swap3A_173] : memref<2048x128xf32, #tpu.memory_space<vmem>>, vector<2048x128xf32>
      tpu.vector_store %arg10[%swap3A_172, %swap3A_173], %select_n3A_171 {strides = array<i32>} : memref<2048x128xf32, #tpu.memory_space<vmem>>, vector<2048x128xf32>,
      %slice3A_175 = vector.extract_strided_slice %add3A_14 {offsets = [0, 768], sizes = [2048, 128], strides = [1, 1]} : vector<2048x2048xf32> to vector<2048x128xf32>
      %get3A_176 = arith.constant 0 : index
      %get3A_177 = arith.constant 0 : index
      %get3A_178 = vector.load %arg10[%get3A_176, %get3A_177] : memref<2048x128xf32, #tpu.memory_space<vmem>>, vector<2048x128xf32>
      %lt3A_179 = arith.cmpf olt, %slice3A_175, %get3A_178 : vector<2048x128xf32>
      %mul3A_180 = arith.constant 16 : i32
      %mul3A_181 = arith.muli %arg1, %mul3A_180 : i32
      %add3A_182 = arith.constant 6 : i32
      %add3A_183 = arith.addi %mul3A_181, %add3A_182 : i32
      %get3A_184 = arith.constant 0 : index
      %get3A_185 = arith.constant 0 : index
      %get3A_186 = vector.load %arg11[%get3A_184, %get3A_185] : memref<2048x128xi32, #tpu.memory_space<vmem>>, vector<2048x128xi32>
      %broadcast_in_dim3A_187 = vector.broadcast %add3A_183 : i32 to vector<2048x128xi32>
      %select_n3A_188 = arith.select %lt3A_179, %broadcast_in_dim3A_187, %get3A_186 : vector<2048x128xi1>, vector<2048x128xi32>
      %swap3A_189 = arith.constant 0 : index
      %swap3A_190 = arith.constant 0 : index
      %swap3A_191 = vector.load %arg11[%swap3A_189, %swap3A_190] : memref<2048x128xi32, #tpu.memory_space<vmem>>, vector<2048x128xi32>
      tpu.vector_store %arg11[%swap3A_189, %swap3A_190], %select_n3A_188 {strides = array<i32>} : memref<2048x128xi32, #tpu.memory_space<vmem>>, vector<2048x128xi32>,
      %get3A_192 = arith.constant 0 : index
      %get3A_193 = arith.constant 0 : index
      %get3A_194 = vector.load %arg10[%get3A_192, %get3A_193] : memref<2048x128xf32, #tpu.memory_space<vmem>>, vector<2048x128xf32>
      %select_n3A_195 = arith.select %lt3A_179, %slice3A_175, %get3A_194 : vector<2048x128xi1>, vector<2048x128xf32>
      %swap3A_196 = arith.constant 0 : index
      %swap3A_197 = arith.constant 0 : index
      %swap3A_198 = vector.load %arg10[%swap3A_196, %swap3A_197] : memref<2048x128xf32, #tpu.memory_space<vmem>>, vector<2048x128xf32>
      tpu.vector_store %arg10[%swap3A_196, %swap3A_197], %select_n3A_195 {strides = array<i32>} : memref<2048x128xf32, #tpu.memory_space<vmem>>, vector<2048x128xf32>,
      %slice3A_199 = vector.extract_strided_slice %add3A_14 {offsets = [0, 896], sizes = [2048, 128], strides = [1, 1]} : vector<2048x2048xf32> to vector<2048x128xf32>
      %get3A_200 = arith.constant 0 : index
      %get3A_201 = arith.constant 0 : index
      %get3A_202 = vector.load %arg10[%get3A_200, %get3A_201] : memref<2048x128xf32, #tpu.memory_space<vmem>>, vector<2048x128xf32>
      %lt3A_203 = arith.cmpf olt, %slice3A_199, %get3A_202 : vector<2048x128xf32>
      %mul3A_204 = arith.constant 16 : i32
      %mul3A_205 = arith.muli %arg1, %mul3A_204 : i32
      %add3A_206 = arith.constant 7 : i32
      %add3A_207 = arith.addi %mul3A_205, %add3A_206 : i32
      %get3A_208 = arith.constant 0 : index
      %get3A_209 = arith.constant 0 : index
      %get3A_210 = vector.load %arg11[%get3A_208, %get3A_209] : memref<2048x128xi32, #tpu.memory_space<vmem>>, vector<2048x128xi32>
      %broadcast_in_dim3A_211 = vector.broadcast %add3A_207 : i32 to vector<2048x128xi32>
      %select_n3A_212 = arith.select %lt3A_203, %broadcast_in_dim3A_211, %get3A_210 : vector<2048x128xi1>, vector<2048x128xi32>
      %swap3A_213 = arith.constant 0 : index
      %swap3A_214 = arith.constant 0 : index
      %swap3A_215 = vector.load %arg11[%swap3A_213, %swap3A_214] : memref<2048x128xi32, #tpu.memory_space<vmem>>, vector<2048x128xi32>
      tpu.vector_store %arg11[%swap3A_213, %swap3A_214], %select_n3A_212 {strides = array<i32>} : memref<2048x128xi32, #tpu.memory_space<vmem>>, vector<2048x128xi32>,
      %get3A_216 = arith.constant 0 : index
      %get3A_217 = arith.constant 0 : index
      %get3A_218 = vector.load %arg10[%get3A_216, %get3A_217] : memref<2048x128xf32, #tpu.memory_space<vmem>>, vector<2048x128xf32>
      %select_n3A_219 = arith.select %lt3A_203, %slice3A_199, %get3A_218 : vector<2048x128xi1>, vector<2048x128xf32>
      %swap3A_220 = arith.constant 0 : index
      %swap3A_221 = arith.constant 0 : index
      %swap3A_222 = vector.load %arg10[%swap3A_220, %swap3A_221] : memref<2048x128xf32, #tpu.memory_space<vmem>>, vector<2048x128xf32>
      tpu.vector_store %arg10[%swap3A_220, %swap3A_221], %select_n3A_219 {strides = array<i32>} : memref<2048x128xf32, #tpu.memory_space<vmem>>, vector<2048x128xf32>,
      %slice3A_223 = vector.extract_strided_slice %add3A_14 {offsets = [0, 1024], sizes = [2048, 128], strides = [1, 1]} : vector<2048x2048xf32> to vector<2048x128xf32>
      %get3A_224 = arith.constant 0 : index
      %get3A_225 = arith.constant 0 : index
      %get3A_226 = vector.load %arg10[%get3A_224, %get3A_225] : memref<2048x128xf32, #tpu.memory_space<vmem>>, vector<2048x128xf32>
      %lt3A_227 = arith.cmpf olt, %slice3A_223, %get3A_226 : vector<2048x128xf32>
      %mul3A_228 = arith.constant 16 : i32
      %mul3A_229 = arith.muli %arg1, %mul3A_228 : i32
      %add3A_230 = arith.constant 8 : i32
      %add3A_231 = arith.addi %mul3A_229, %add3A_230 : i32
      %get3A_232 = arith.constant 0 : index
      %get3A_233 = arith.constant 0 : index
      %get3A_234 = vector.load %arg11[%get3A_232, %get3A_233] : memref<2048x128xi32, #tpu.memory_space<vmem>>, vector<2048x128xi32>
      %broadcast_in_dim3A_235 = vector.broadcast %add3A_231 : i32 to vector<2048x128xi32>
      %select_n3A_236 = arith.select %lt3A_227, %broadcast_in_dim3A_235, %get3A_234 : vector<2048x128xi1>, vector<2048x128xi32>
      %swap3A_237 = arith.constant 0 : index
      %swap3A_238 = arith.constant 0 : index
      %swap3A_239 = vector.load %arg11[%swap3A_237, %swap3A_238] : memref<2048x128xi32, #tpu.memory_space<vmem>>, vector<2048x128xi32>
      tpu.vector_store %arg11[%swap3A_237, %swap3A_238], %select_n3A_236 {strides = array<i32>} : memref<2048x128xi32, #tpu.memory_space<vmem>>, vector<2048x128xi32>,
      %get3A_240 = arith.constant 0 : index
      %get3A_241 = arith.constant 0 : index
      %get3A_242 = vector.load %arg10[%get3A_240, %get3A_241] : memref<2048x128xf32, #tpu.memory_space<vmem>>, vector<2048x128xf32>
      %select_n3A_243 = arith.select %lt3A_227, %slice3A_223, %get3A_242 : vector<2048x128xi1>, vector<2048x128xf32>
      %swap3A_244 = arith.constant 0 : index
      %swap3A_245 = arith.constant 0 : index
      %swap3A_246 = vector.load %arg10[%swap3A_244, %swap3A_245] : memref<2048x128xf32, #tpu.memory_space<vmem>>, vector<2048x128xf32>
      tpu.vector_store %arg10[%swap3A_244, %swap3A_245], %select_n3A_243 {strides = array<i32>} : memref<2048x128xf32, #tpu.memory_space<vmem>>, vector<2048x128xf32>,
      %slice3A_247 = vector.extract_strided_slice %add3A_14 {offsets = [0, 1152], sizes = [2048, 128], strides = [1, 1]} : vector<2048x2048xf32> to vector<2048x128xf32>
      %get3A_248 = arith.constant 0 : index
      %get3A_249 = arith.constant 0 : index
      %get3A_250 = vector.load %arg10[%get3A_248, %get3A_249] : memref<2048x128xf32, #tpu.memory_space<vmem>>, vector<2048x128xf32>
      %lt3A_251 = arith.cmpf olt, %slice3A_247, %get3A_250 : vector<2048x128xf32>
      %mul3A_252 = arith.constant 16 : i32
      %mul3A_253 = arith.muli %arg1, %mul3A_252 : i32
      %add3A_254 = arith.constant 9 : i32
      %add3A_255 = arith.addi %mul3A_253, %add3A_254 : i32
      %get3A_256 = arith.constant 0 : index
      %get3A_257 = arith.constant 0 : index
      %get3A_258 = vector.load %arg11[%get3A_256, %get3A_257] : memref<2048x128xi32, #tpu.memory_space<vmem>>, vector<2048x128xi32>
      %broadcast_in_dim3A_259 = vector.broadcast %add3A_255 : i32 to vector<2048x128xi32>
      %select_n3A_260 = arith.select %lt3A_251, %broadcast_in_dim3A_259, %get3A_258 : vector<2048x128xi1>, vector<2048x128xi32>
      %swap3A_261 = arith.constant 0 : index
      %swap3A_262 = arith.constant 0 : index
      %swap3A_263 = vector.load %arg11[%swap3A_261, %swap3A_262] : memref<2048x128xi32, #tpu.memory_space<vmem>>, vector<2048x128xi32>
      tpu.vector_store %arg11[%swap3A_261, %swap3A_262], %select_n3A_260 {strides = array<i32>} : memref<2048x128xi32, #tpu.memory_space<vmem>>, vector<2048x128xi32>,
      %get3A_264 = arith.constant 0 : index
      %get3A_265 = arith.constant 0 : index
      %get3A_266 = vector.load %arg10[%get3A_264, %get3A_265] : memref<2048x128xf32, #tpu.memory_space<vmem>>, vector<2048x128xf32>
      %select_n3A_267 = arith.select %lt3A_251, %slice3A_247, %get3A_266 : vector<2048x128xi1>, vector<2048x128xf32>
      %swap3A_268 = arith.constant 0 : index
      %swap3A_269 = arith.constant 0 : index
      %swap3A_270 = vector.load %arg10[%swap3A_268, %swap3A_269] : memref<2048x128xf32, #tpu.memory_space<vmem>>, vector<2048x128xf32>
      tpu.vector_store %arg10[%swap3A_268, %swap3A_269], %select_n3A_267 {strides = array<i32>} : memref<2048x128xf32, #tpu.memory_space<vmem>>, vector<2048x128xf32>,
      %slice3A_271 = vector.extract_strided_slice %add3A_14 {offsets = [0, 1280], sizes = [2048, 128], strides = [1, 1]} : vector<2048x2048xf32> to vector<2048x128xf32>
      %get3A_272 = arith.constant 0 : index
      %get3A_273 = arith.constant 0 : index
      %get3A_274 = vector.load %arg10[%get3A_272, %get3A_273] : memref<2048x128xf32, #tpu.memory_space<vmem>>, vector<2048x128xf32>
      %lt3A_275 = arith.cmpf olt, %slice3A_271, %get3A_274 : vector<2048x128xf32>
      %mul3A_276 = arith.constant 16 : i32
      %mul3A_277 = arith.muli %arg1, %mul3A_276 : i32
      %add3A_278 = arith.constant 10 : i32
      %add3A_279 = arith.addi %mul3A_277, %add3A_278 : i32
      %get3A_280 = arith.constant 0 : index
      %get3A_281 = arith.constant 0 : index
      %get3A_282 = vector.load %arg11[%get3A_280, %get3A_281] : memref<2048x128xi32, #tpu.memory_space<vmem>>, vector<2048x128xi32>
      %broadcast_in_dim3A_283 = vector.broadcast %add3A_279 : i32 to vector<2048x128xi32>
      %select_n3A_284 = arith.select %lt3A_275, %broadcast_in_dim3A_283, %get3A_282 : vector<2048x128xi1>, vector<2048x128xi32>
      %swap3A_285 = arith.constant 0 : index
      %swap3A_286 = arith.constant 0 : index
      %swap3A_287 = vector.load %arg11[%swap3A_285, %swap3A_286] : memref<2048x128xi32, #tpu.memory_space<vmem>>, vector<2048x128xi32>
      tpu.vector_store %arg11[%swap3A_285, %swap3A_286], %select_n3A_284 {strides = array<i32>} : memref<2048x128xi32, #tpu.memory_space<vmem>>, vector<2048x128xi32>,
      %get3A_288 = arith.constant 0 : index
      %get3A_289 = arith.constant 0 : index
      %get3A_290 = vector.load %arg10[%get3A_288, %get3A_289] : memref<2048x128xf32, #tpu.memory_space<vmem>>, vector<2048x128xf32>
      %select_n3A_291 = arith.select %lt3A_275, %slice3A_271, %get3A_290 : vector<2048x128xi1>, vector<2048x128xf32>
      %swap3A_292 = arith.constant 0 : index
      %swap3A_293 = arith.constant 0 : index
      %swap3A_294 = vector.load %arg10[%swap3A_292, %swap3A_293] : memref<2048x128xf32, #tpu.memory_space<vmem>>, vector<2048x128xf32>
      tpu.vector_store %arg10[%swap3A_292, %swap3A_293], %select_n3A_291 {strides = array<i32>} : memref<2048x128xf32, #tpu.memory_space<vmem>>, vector<2048x128xf32>,
      %slice3A_295 = vector.extract_strided_slice %add3A_14 {offsets = [0, 1408], sizes = [2048, 128], strides = [1, 1]} : vector<2048x2048xf32> to vector<2048x128xf32>
      %get3A_296 = arith.constant 0 : index
      %get3A_297 = arith.constant 0 : index
      %get3A_298 = vector.load %arg10[%get3A_296, %get3A_297] : memref<2048x128xf32, #tpu.memory_space<vmem>>, vector<2048x128xf32>
      %lt3A_299 = arith.cmpf olt, %slice3A_295, %get3A_298 : vector<2048x128xf32>
      %mul3A_300 = arith.constant 16 : i32
      %mul3A_301 = arith.muli %arg1, %mul3A_300 : i32
      %add3A_302 = arith.constant 11 : i32
      %add3A_303 = arith.addi %mul3A_301, %add3A_302 : i32
      %get3A_304 = arith.constant 0 : index
      %get3A_305 = arith.constant 0 : index
      %get3A_306 = vector.load %arg11[%get3A_304, %get3A_305] : memref<2048x128xi32, #tpu.memory_space<vmem>>, vector<2048x128xi32>
      %broadcast_in_dim3A_307 = vector.broadcast %add3A_303 : i32 to vector<2048x128xi32>
      %select_n3A_308 = arith.select %lt3A_299, %broadcast_in_dim3A_307, %get3A_306 : vector<2048x128xi1>, vector<2048x128xi32>
      %swap3A_309 = arith.constant 0 : index
      %swap3A_310 = arith.constant 0 : index
      %swap3A_311 = vector.load %arg11[%swap3A_309, %swap3A_310] : memref<2048x128xi32, #tpu.memory_space<vmem>>, vector<2048x128xi32>
      tpu.vector_store %arg11[%swap3A_309, %swap3A_310], %select_n3A_308 {strides = array<i32>} : memref<2048x128xi32, #tpu.memory_space<vmem>>, vector<2048x128xi32>,
      %get3A_312 = arith.constant 0 : index
      %get3A_313 = arith.constant 0 : index
      %get3A_314 = vector.load %arg10[%get3A_312, %get3A_313] : memref<2048x128xf32, #tpu.memory_space<vmem>>, vector<2048x128xf32>
      %select_n3A_315 = arith.select %lt3A_299, %slice3A_295, %get3A_314 : vector<2048x128xi1>, vector<2048x128xf32>
      %swap3A_316 = arith.constant 0 : index
      %swap3A_317 = arith.constant 0 : index
      %swap3A_318 = vector.load %arg10[%swap3A_316, %swap3A_317] : memref<2048x128xf32, #tpu.memory_space<vmem>>, vector<2048x128xf32>
      tpu.vector_store %arg10[%swap3A_316, %swap3A_317], %select_n3A_315 {strides = array<i32>} : memref<2048x128xf32, #tpu.memory_space<vmem>>, vector<2048x128xf32>,
      %slice3A_319 = vector.extract_strided_slice %add3A_14 {offsets = [0, 1536], sizes = [2048, 128], strides = [1, 1]} : vector<2048x2048xf32> to vector<2048x128xf32>
      %get3A_320 = arith.constant 0 : index
      %get3A_321 = arith.constant 0 : index
      %get3A_322 = vector.load %arg10[%get3A_320, %get3A_321] : memref<2048x128xf32, #tpu.memory_space<vmem>>, vector<2048x128xf32>
      %lt3A_323 = arith.cmpf olt, %slice3A_319, %get3A_322 : vector<2048x128xf32>
      %mul3A_324 = arith.constant 16 : i32
      %mul3A_325 = arith.muli %arg1, %mul3A_324 : i32
      %add3A_326 = arith.constant 12 : i32
      %add3A_327 = arith.addi %mul3A_325, %add3A_326 : i32
      %get3A_328 = arith.constant 0 : index
      %get3A_329 = arith.constant 0 : index
      %get3A_330 = vector.load %arg11[%get3A_328, %get3A_329] : memref<2048x128xi32, #tpu.memory_space<vmem>>, vector<2048x128xi32>
      %broadcast_in_dim3A_331 = vector.broadcast %add3A_327 : i32 to vector<2048x128xi32>
      %select_n3A_332 = arith.select %lt3A_323, %broadcast_in_dim3A_331, %get3A_330 : vector<2048x128xi1>, vector<2048x128xi32>
      %swap3A_333 = arith.constant 0 : index
      %swap3A_334 = arith.constant 0 : index
      %swap3A_335 = vector.load %arg11[%swap3A_333, %swap3A_334] : memref<2048x128xi32, #tpu.memory_space<vmem>>, vector<2048x128xi32>
      tpu.vector_store %arg11[%swap3A_333, %swap3A_334], %select_n3A_332 {strides = array<i32>} : memref<2048x128xi32, #tpu.memory_space<vmem>>, vector<2048x128xi32>,
      %get3A_336 = arith.constant 0 : index
      %get3A_337 = arith.constant 0 : index
      %get3A_338 = vector.load %arg10[%get3A_336, %get3A_337] : memref<2048x128xf32, #tpu.memory_space<vmem>>, vector<2048x128xf32>
      %select_n3A_339 = arith.select %lt3A_323, %slice3A_319, %get3A_338 : vector<2048x128xi1>, vector<2048x128xf32>
      %swap3A_340 = arith.constant 0 : index
      %swap3A_341 = arith.constant 0 : index
      %swap3A_342 = vector.load %arg10[%swap3A_340, %swap3A_341] : memref<2048x128xf32, #tpu.memory_space<vmem>>, vector<2048x128xf32>
      tpu.vector_store %arg10[%swap3A_340, %swap3A_341], %select_n3A_339 {strides = array<i32>} : memref<2048x128xf32, #tpu.memory_space<vmem>>, vector<2048x128xf32>,
      %slice3A_343 = vector.extract_strided_slice %add3A_14 {offsets = [0, 1664], sizes = [2048, 128], strides = [1, 1]} : vector<2048x2048xf32> to vector<2048x128xf32>
      %get3A_344 = arith.constant 0 : index
      %get3A_345 = arith.constant 0 : index
      %get3A_346 = vector.load %arg10[%get3A_344, %get3A_345] : memref<2048x128xf32, #tpu.memory_space<vmem>>, vector<2048x128xf32>
      %lt3A_347 = arith.cmpf olt, %slice3A_343, %get3A_346 : vector<2048x128xf32>
      %mul3A_348 = arith.constant 16 : i32
      %mul3A_349 = arith.muli %arg1, %mul3A_348 : i32
      %add3A_350 = arith.constant 13 : i32
      %add3A_351 = arith.addi %mul3A_349, %add3A_350 : i32
      %get3A_352 = arith.constant 0 : index
      %get3A_353 = arith.constant 0 : index
      %get3A_354 = vector.load %arg11[%get3A_352, %get3A_353] : memref<2048x128xi32, #tpu.memory_space<vmem>>, vector<2048x128xi32>
      %broadcast_in_dim3A_355 = vector.broadcast %add3A_351 : i32 to vector<2048x128xi32>
      %select_n3A_356 = arith.select %lt3A_347, %broadcast_in_dim3A_355, %get3A_354 : vector<2048x128xi1>, vector<2048x128xi32>
      %swap3A_357 = arith.constant 0 : index
      %swap3A_358 = arith.constant 0 : index
      %swap3A_359 = vector.load %arg11[%swap3A_357, %swap3A_358] : memref<2048x128xi32, #tpu.memory_space<vmem>>, vector<2048x128xi32>
      tpu.vector_store %arg11[%swap3A_357, %swap3A_358], %select_n3A_356 {strides = array<i32>} : memref<2048x128xi32, #tpu.memory_space<vmem>>, vector<2048x128xi32>,
      %get3A_360 = arith.constant 0 : index
      %get3A_361 = arith.constant 0 : index
      %get3A_362 = vector.load %arg10[%get3A_360, %get3A_361] : memref<2048x128xf32, #tpu.memory_space<vmem>>, vector<2048x128xf32>
      %select_n3A_363 = arith.select %lt3A_347, %slice3A_343, %get3A_362 : vector<2048x128xi1>, vector<2048x128xf32>
      %swap3A_364 = arith.constant 0 : index
      %swap3A_365 = arith.constant 0 : index
      %swap3A_366 = vector.load %arg10[%swap3A_364, %swap3A_365] : memref<2048x128xf32, #tpu.memory_space<vmem>>, vector<2048x128xf32>
      tpu.vector_store %arg10[%swap3A_364, %swap3A_365], %select_n3A_363 {strides = array<i32>} : memref<2048x128xf32, #tpu.memory_space<vmem>>, vector<2048x128xf32>,
      %slice3A_367 = vector.extract_strided_slice %add3A_14 {offsets = [0, 1792], sizes = [2048, 128], strides = [1, 1]} : vector<2048x2048xf32> to vector<2048x128xf32>
      %get3A_368 = arith.constant 0 : index
      %get3A_369 = arith.constant 0 : index
      %get3A_370 = vector.load %arg10[%get3A_368, %get3A_369] : memref<2048x128xf32, #tpu.memory_space<vmem>>, vector<2048x128xf32>
      %lt3A_371 = arith.cmpf olt, %slice3A_367, %get3A_370 : vector<2048x128xf32>
      %mul3A_372 = arith.constant 16 : i32
      %mul3A_373 = arith.muli %arg1, %mul3A_372 : i32
      %add3A_374 = arith.constant 14 : i32
      %add3A_375 = arith.addi %mul3A_373, %add3A_374 : i32
      %get3A_376 = arith.constant 0 : index
      %get3A_377 = arith.constant 0 : index
      %get3A_378 = vector.load %arg11[%get3A_376, %get3A_377] : memref<2048x128xi32, #tpu.memory_space<vmem>>, vector<2048x128xi32>
      %broadcast_in_dim3A_379 = vector.broadcast %add3A_375 : i32 to vector<2048x128xi32>
      %select_n3A_380 = arith.select %lt3A_371, %broadcast_in_dim3A_379, %get3A_378 : vector<2048x128xi1>, vector<2048x128xi32>
      %swap3A_381 = arith.constant 0 : index
      %swap3A_382 = arith.constant 0 : index
      %swap3A_383 = vector.load %arg11[%swap3A_381, %swap3A_382] : memref<2048x128xi32, #tpu.memory_space<vmem>>, vector<2048x128xi32>
      tpu.vector_store %arg11[%swap3A_381, %swap3A_382], %select_n3A_380 {strides = array<i32>} : memref<2048x128xi32, #tpu.memory_space<vmem>>, vector<2048x128xi32>,
      %get3A_384 = arith.constant 0 : index
      %get3A_385 = arith.constant 0 : index
      %get3A_386 = vector.load %arg10[%get3A_384, %get3A_385] : memref<2048x128xf32, #tpu.memory_space<vmem>>, vector<2048x128xf32>
      %select_n3A_387 = arith.select %lt3A_371, %slice3A_367, %get3A_386 : vector<2048x128xi1>, vector<2048x128xf32>
      %swap3A_388 = arith.constant 0 : index
      %swap3A_389 = arith.constant 0 : index
      %swap3A_390 = vector.load %arg10[%swap3A_388, %swap3A_389] : memref<2048x128xf32, #tpu.memory_space<vmem>>, vector<2048x128xf32>
      tpu.vector_store %arg10[%swap3A_388, %swap3A_389], %select_n3A_387 {strides = array<i32>} : memref<2048x128xf32, #tpu.memory_space<vmem>>, vector<2048x128xf32>,
      %slice3A_391 = vector.extract_strided_slice %add3A_14 {offsets = [0, 1920], sizes = [2048, 128], strides = [1, 1]} : vector<2048x2048xf32> to vector<2048x128xf32>
      %get3A_392 = arith.constant 0 : index
      %get3A_393 = arith.constant 0 : index
      %get3A_394 = vector.load %arg10[%get3A_392, %get3A_393] : memref<2048x128xf32, #tpu.memory_space<vmem>>, vector<2048x128xf32>
      %lt3A_395 = arith.cmpf olt, %slice3A_391, %get3A_394 : vector<2048x128xf32>
      %mul3A_396 = arith.constant 16 : i32
      %mul3A_397 = arith.muli %arg1, %mul3A_396 : i32
      %add3A_398 = arith.constant 15 : i32
      %add3A_399 = arith.addi %mul3A_397, %add3A_398 : i32
      %get3A_400 = arith.constant 0 : index
      %get3A_401 = arith.constant 0 : index
      %get3A_402 = vector.load %arg11[%get3A_400, %get3A_401] : memref<2048x128xi32, #tpu.memory_space<vmem>>, vector<2048x128xi32>
      %broadcast_in_dim3A_403 = vector.broadcast %add3A_399 : i32 to vector<2048x128xi32>
      %select_n3A_404 = arith.select %lt3A_395, %broadcast_in_dim3A_403, %get3A_402 : vector<2048x128xi1>, vector<2048x128xi32>
      %swap3A_405 = arith.constant 0 : index
      %swap3A_406 = arith.constant 0 : index
      %swap3A_407 = vector.load %arg11[%swap3A_405, %swap3A_406] : memref<2048x128xi32, #tpu.memory_space<vmem>>, vector<2048x128xi32>
      tpu.vector_store %arg11[%swap3A_405, %swap3A_406], %select_n3A_404 {strides = array<i32>} : memref<2048x128xi32, #tpu.memory_space<vmem>>, vector<2048x128xi32>,
      %get3A_408 = arith.constant 0 : index
      %get3A_409 = arith.constant 0 : index
      %get3A_410 = vector.load %arg10[%get3A_408, %get3A_409] : memref<2048x128xf32, #tpu.memory_space<vmem>>, vector<2048x128xf32>
      %select_n3A_411 = arith.select %lt3A_395, %slice3A_391, %get3A_410 : vector<2048x128xi1>, vector<2048x128xf32>
      %swap3A_412 = arith.constant 0 : index
      %swap3A_413 = arith.constant 0 : index
      %swap3A_414 = vector.load %arg10[%swap3A_412, %swap3A_413] : memref<2048x128xf32, #tpu.memory_space<vmem>>, vector<2048x128xf32>
      tpu.vector_store %arg10[%swap3A_412, %swap3A_413], %select_n3A_411 {strides = array<i32>} : memref<2048x128xf32, #tpu.memory_space<vmem>>, vector<2048x128xf32>,
    } else {
    }
    %eq3A_22 = arith.constant 1 : i32
    %eq3A_23 = arith.cmpi eq, %arg1, %eq3A_22 : i32
    %convert_element_type3A_24 = arith.extui %eq3A_23 : i1 to i32
    %cond3A_25 = arith.constant 0 : i32
    %cond3A_26 = arith.cmpi ne, %convert_element_type3A_24, %cond3A_25 : i32
    scf.if %cond3A_26 {
      %slice3A = vector.extract_strided_slice %add3A_14 {offsets = [0, 0], sizes = [2048, 128], strides = [1, 1]} : vector<2048x2048xf32> to vector<2048x128xf32>
      %get3A_37 = arith.constant 0 : index
      %get3A_38 = arith.constant 0 : index
      %get3A_39 = vector.load %arg10[%get3A_37, %get3A_38] : memref<2048x128xf32, #tpu.memory_space<vmem>>, vector<2048x128xf32>
      %lt3A = arith.cmpf olt, %slice3A, %get3A_39 : vector<2048x128xf32>
      %mul3A = arith.constant 16 : i32
      %mul3A_40 = arith.muli %arg1, %mul3A : i32
      %add3A_41 = arith.constant 0 : i32
      %add3A_42 = arith.addi %mul3A_40, %add3A_41 : i32
      %get3A_43 = arith.constant 0 : index
      %get3A_44 = arith.constant 0 : index
      %get3A_45 = vector.load %arg11[%get3A_43, %get3A_44] : memref<2048x128xi32, #tpu.memory_space<vmem>>, vector<2048x128xi32>
      %broadcast_in_dim3A = vector.broadcast %add3A_42 : i32 to vector<2048x128xi32>
      %select_n3A = arith.select %lt3A, %broadcast_in_dim3A, %get3A_45 : vector<2048x128xi1>, vector<2048x128xi32>
      %swap3A = arith.constant 0 : index
      %swap3A_46 = arith.constant 0 : index
      %swap3A_47 = vector.load %arg11[%swap3A, %swap3A_46] : memref<2048x128xi32, #tpu.memory_space<vmem>>, vector<2048x128xi32>
      tpu.vector_store %arg11[%swap3A, %swap3A_46], %select_n3A {strides = array<i32>} : memref<2048x128xi32, #tpu.memory_space<vmem>>, vector<2048x128xi32>,
      %get3A_48 = arith.constant 0 : index
      %get3A_49 = arith.constant 0 : index
      %get3A_50 = vector.load %arg10[%get3A_48, %get3A_49] : memref<2048x128xf32, #tpu.memory_space<vmem>>, vector<2048x128xf32>
      %select_n3A_51 = arith.select %lt3A, %slice3A, %get3A_50 : vector<2048x128xi1>, vector<2048x128xf32>
      %swap3A_52 = arith.constant 0 : index
      %swap3A_53 = arith.constant 0 : index
      %swap3A_54 = vector.load %arg10[%swap3A_52, %swap3A_53] : memref<2048x128xf32, #tpu.memory_space<vmem>>, vector<2048x128xf32>
      tpu.vector_store %arg10[%swap3A_52, %swap3A_53], %select_n3A_51 {strides = array<i32>} : memref<2048x128xf32, #tpu.memory_space<vmem>>, vector<2048x128xf32>,
      %slice3A_55 = vector.extract_strided_slice %add3A_14 {offsets = [0, 128], sizes = [2048, 128], strides = [1, 1]} : vector<2048x2048xf32> to vector<2048x128xf32>
      %get3A_56 = arith.constant 0 : index
      %get3A_57 = arith.constant 0 : index
      %get3A_58 = vector.load %arg10[%get3A_56, %get3A_57] : memref<2048x128xf32, #tpu.memory_space<vmem>>, vector<2048x128xf32>
      %lt3A_59 = arith.cmpf olt, %slice3A_55, %get3A_58 : vector<2048x128xf32>
      %mul3A_60 = arith.constant 16 : i32
      %mul3A_61 = arith.muli %arg1, %mul3A_60 : i32
      %add3A_62 = arith.constant 1 : i32
      %add3A_63 = arith.addi %mul3A_61, %add3A_62 : i32
      %get3A_64 = arith.constant 0 : index
      %get3A_65 = arith.constant 0 : index
      %get3A_66 = vector.load %arg11[%get3A_64, %get3A_65] : memref<2048x128xi32, #tpu.memory_space<vmem>>, vector<2048x128xi32>
      %broadcast_in_dim3A_67 = vector.broadcast %add3A_63 : i32 to vector<2048x128xi32>
      %select_n3A_68 = arith.select %lt3A_59, %broadcast_in_dim3A_67, %get3A_66 : vector<2048x128xi1>, vector<2048x128xi32>
      %swap3A_69 = arith.constant 0 : index
      %swap3A_70 = arith.constant 0 : index
      %swap3A_71 = vector.load %arg11[%swap3A_69, %swap3A_70] : memref<2048x128xi32, #tpu.memory_space<vmem>>, vector<2048x128xi32>
      tpu.vector_store %arg11[%swap3A_69, %swap3A_70], %select_n3A_68 {strides = array<i32>} : memref<2048x128xi32, #tpu.memory_space<vmem>>, vector<2048x128xi32>,
      %get3A_72 = arith.constant 0 : index
      %get3A_73 = arith.constant 0 : index
      %get3A_74 = vector.load %arg10[%get3A_72, %get3A_73] : memref<2048x128xf32, #tpu.memory_space<vmem>>, vector<2048x128xf32>
      %select_n3A_75 = arith.select %lt3A_59, %slice3A_55, %get3A_74 : vector<2048x128xi1>, vector<2048x128xf32>
      %swap3A_76 = arith.constant 0 : index
      %swap3A_77 = arith.constant 0 : index
      %swap3A_78 = vector.load %arg10[%swap3A_76, %swap3A_77] : memref<2048x128xf32, #tpu.memory_space<vmem>>, vector<2048x128xf32>
      tpu.vector_store %arg10[%swap3A_76, %swap3A_77], %select_n3A_75 {strides = array<i32>} : memref<2048x128xf32, #tpu.memory_space<vmem>>, vector<2048x128xf32>,
      %slice3A_79 = vector.extract_strided_slice %add3A_14 {offsets = [0, 256], sizes = [2048, 128], strides = [1, 1]} : vector<2048x2048xf32> to vector<2048x128xf32>
      %get3A_80 = arith.constant 0 : index
      %get3A_81 = arith.constant 0 : index
      %get3A_82 = vector.load %arg10[%get3A_80, %get3A_81] : memref<2048x128xf32, #tpu.memory_space<vmem>>, vector<2048x128xf32>
      %lt3A_83 = arith.cmpf olt, %slice3A_79, %get3A_82 : vector<2048x128xf32>
      %mul3A_84 = arith.constant 16 : i32
      %mul3A_85 = arith.muli %arg1, %mul3A_84 : i32
      %add3A_86 = arith.constant 2 : i32
      %add3A_87 = arith.addi %mul3A_85, %add3A_86 : i32
      %get3A_88 = arith.constant 0 : index
      %get3A_89 = arith.constant 0 : index
      %get3A_90 = vector.load %arg11[%get3A_88, %get3A_89] : memref<2048x128xi32, #tpu.memory_space<vmem>>, vector<2048x128xi32>
      %broadcast_in_dim3A_91 = vector.broadcast %add3A_87 : i32 to vector<2048x128xi32>
      %select_n3A_92 = arith.select %lt3A_83, %broadcast_in_dim3A_91, %get3A_90 : vector<2048x128xi1>, vector<2048x128xi32>
      %swap3A_93 = arith.constant 0 : index
      %swap3A_94 = arith.constant 0 : index
      %swap3A_95 = vector.load %arg11[%swap3A_93, %swap3A_94] : memref<2048x128xi32, #tpu.memory_space<vmem>>, vector<2048x128xi32>
      tpu.vector_store %arg11[%swap3A_93, %swap3A_94], %select_n3A_92 {strides = array<i32>} : memref<2048x128xi32, #tpu.memory_space<vmem>>, vector<2048x128xi32>,
      %get3A_96 = arith.constant 0 : index
      %get3A_97 = arith.constant 0 : index
      %get3A_98 = vector.load %arg10[%get3A_96, %get3A_97] : memref<2048x128xf32, #tpu.memory_space<vmem>>, vector<2048x128xf32>
      %select_n3A_99 = arith.select %lt3A_83, %slice3A_79, %get3A_98 : vector<2048x128xi1>, vector<2048x128xf32>
      %swap3A_100 = arith.constant 0 : index
      %swap3A_101 = arith.constant 0 : index
      %swap3A_102 = vector.load %arg10[%swap3A_100, %swap3A_101] : memref<2048x128xf32, #tpu.memory_space<vmem>>, vector<2048x128xf32>
      tpu.vector_store %arg10[%swap3A_100, %swap3A_101], %select_n3A_99 {strides = array<i32>} : memref<2048x128xf32, #tpu.memory_space<vmem>>, vector<2048x128xf32>,
      %slice3A_103 = vector.extract_strided_slice %add3A_14 {offsets = [0, 384], sizes = [2048, 128], strides = [1, 1]} : vector<2048x2048xf32> to vector<2048x128xf32>
      %get3A_104 = arith.constant 0 : index
      %get3A_105 = arith.constant 0 : index
      %get3A_106 = vector.load %arg10[%get3A_104, %get3A_105] : memref<2048x128xf32, #tpu.memory_space<vmem>>, vector<2048x128xf32>
      %lt3A_107 = arith.cmpf olt, %slice3A_103, %get3A_106 : vector<2048x128xf32>
      %mul3A_108 = arith.constant 16 : i32
      %mul3A_109 = arith.muli %arg1, %mul3A_108 : i32
      %add3A_110 = arith.constant 3 : i32
      %add3A_111 = arith.addi %mul3A_109, %add3A_110 : i32
      %get3A_112 = arith.constant 0 : index
      %get3A_113 = arith.constant 0 : index
      %get3A_114 = vector.load %arg11[%get3A_112, %get3A_113] : memref<2048x128xi32, #tpu.memory_space<vmem>>, vector<2048x128xi32>
      %broadcast_in_dim3A_115 = vector.broadcast %add3A_111 : i32 to vector<2048x128xi32>
      %select_n3A_116 = arith.select %lt3A_107, %broadcast_in_dim3A_115, %get3A_114 : vector<2048x128xi1>, vector<2048x128xi32>
      %swap3A_117 = arith.constant 0 : index
      %swap3A_118 = arith.constant 0 : index
      %swap3A_119 = vector.load %arg11[%swap3A_117, %swap3A_118] : memref<2048x128xi32, #tpu.memory_space<vmem>>, vector<2048x128xi32>
      tpu.vector_store %arg11[%swap3A_117, %swap3A_118], %select_n3A_116 {strides = array<i32>} : memref<2048x128xi32, #tpu.memory_space<vmem>>, vector<2048x128xi32>,
      %get3A_120 = arith.constant 0 : index
      %get3A_121 = arith.constant 0 : index
      %get3A_122 = vector.load %arg10[%get3A_120, %get3A_121] : memref<2048x128xf32, #tpu.memory_space<vmem>>, vector<2048x128xf32>
      %select_n3A_123 = arith.select %lt3A_107, %slice3A_103, %get3A_122 : vector<2048x128xi1>, vector<2048x128xf32>
      %swap3A_124 = arith.constant 0 : index
      %swap3A_125 = arith.constant 0 : index
      %swap3A_126 = vector.load %arg10[%swap3A_124, %swap3A_125] : memref<2048x128xf32, #tpu.memory_space<vmem>>, vector<2048x128xf32>
      tpu.vector_store %arg10[%swap3A_124, %swap3A_125], %select_n3A_123 {strides = array<i32>} : memref<2048x128xf32, #tpu.memory_space<vmem>>, vector<2048x128xf32>,
      %slice3A_127 = vector.extract_strided_slice %add3A_14 {offsets = [0, 512], sizes = [2048, 128], strides = [1, 1]} : vector<2048x2048xf32> to vector<2048x128xf32>
      %get3A_128 = arith.constant 0 : index
      %get3A_129 = arith.constant 0 : index
      %get3A_130 = vector.load %arg10[%get3A_128, %get3A_129] : memref<2048x128xf32, #tpu.memory_space<vmem>>, vector<2048x128xf32>
      %lt3A_131 = arith.cmpf olt, %slice3A_127, %get3A_130 : vector<2048x128xf32>
      %mul3A_132 = arith.constant 16 : i32
      %mul3A_133 = arith.muli %arg1, %mul3A_132 : i32
      %add3A_134 = arith.constant 4 : i32
      %add3A_135 = arith.addi %mul3A_133, %add3A_134 : i32
      %get3A_136 = arith.constant 0 : index
      %get3A_137 = arith.constant 0 : index
      %get3A_138 = vector.load %arg11[%get3A_136, %get3A_137] : memref<2048x128xi32, #tpu.memory_space<vmem>>, vector<2048x128xi32>
      %broadcast_in_dim3A_139 = vector.broadcast %add3A_135 : i32 to vector<2048x128xi32>
      %select_n3A_140 = arith.select %lt3A_131, %broadcast_in_dim3A_139, %get3A_138 : vector<2048x128xi1>, vector<2048x128xi32>
      %swap3A_141 = arith.constant 0 : index
      %swap3A_142 = arith.constant 0 : index
      %swap3A_143 = vector.load %arg11[%swap3A_141, %swap3A_142] : memref<2048x128xi32, #tpu.memory_space<vmem>>, vector<2048x128xi32>
      tpu.vector_store %arg11[%swap3A_141, %swap3A_142], %select_n3A_140 {strides = array<i32>} : memref<2048x128xi32, #tpu.memory_space<vmem>>, vector<2048x128xi32>,
      %get3A_144 = arith.constant 0 : index
      %get3A_145 = arith.constant 0 : index
      %get3A_146 = vector.load %arg10[%get3A_144, %get3A_145] : memref<2048x128xf32, #tpu.memory_space<vmem>>, vector<2048x128xf32>
      %select_n3A_147 = arith.select %lt3A_131, %slice3A_127, %get3A_146 : vector<2048x128xi1>, vector<2048x128xf32>
      %swap3A_148 = arith.constant 0 : index
      %swap3A_149 = arith.constant 0 : index
      %swap3A_150 = vector.load %arg10[%swap3A_148, %swap3A_149] : memref<2048x128xf32, #tpu.memory_space<vmem>>, vector<2048x128xf32>
      tpu.vector_store %arg10[%swap3A_148, %swap3A_149], %select_n3A_147 {strides = array<i32>} : memref<2048x128xf32, #tpu.memory_space<vmem>>, vector<2048x128xf32>,
      %lt3A_151 = arith.constant 48 : i32
      %lt3A_152 = vector.broadcast %lt3A_151 : i32 to vector<2048x128xi32>
      %lt3A_153 = arith.cmpi slt, %iota3A, %lt3A_152 : vector<2048x128xi32>
      %slice3A_154 = vector.extract_strided_slice %add3A_14 {offsets = [0, 640], sizes = [2048, 128], strides = [1, 1]} : vector<2048x2048xf32> to vector<2048x128xf32>
      %get3A_155 = arith.constant 0 : index
      %get3A_156 = arith.constant 0 : index
      %get3A_157 = vector.load %arg10[%get3A_155, %get3A_156] : memref<2048x128xf32, #tpu.memory_space<vmem>>, vector<2048x128xf32>
      %lt3A_158 = arith.cmpf olt, %slice3A_154, %get3A_157 : vector<2048x128xf32>
      %and3A = arith.andi %lt3A_158, %lt3A_153 : vector<2048x128xi1>
      %mul3A_159 = arith.constant 16 : i32
      %mul3A_160 = arith.muli %arg1, %mul3A_159 : i32
      %add3A_161 = arith.constant 5 : i32
      %add3A_162 = arith.addi %mul3A_160, %add3A_161 : i32
      %get3A_163 = arith.constant 0 : index
      %get3A_164 = arith.constant 0 : index
      %get3A_165 = vector.load %arg11[%get3A_163, %get3A_164] : memref<2048x128xi32, #tpu.memory_space<vmem>>, vector<2048x128xi32>
      %broadcast_in_dim3A_166 = vector.broadcast %add3A_162 : i32 to vector<2048x128xi32>
      %select_n3A_167 = arith.select %and3A, %broadcast_in_dim3A_166, %get3A_165 : vector<2048x128xi1>, vector<2048x128xi32>
      %swap3A_168 = arith.constant 0 : index
      %swap3A_169 = arith.constant 0 : index
      %swap3A_170 = vector.load %arg11[%swap3A_168, %swap3A_169] : memref<2048x128xi32, #tpu.memory_space<vmem>>, vector<2048x128xi32>
      tpu.vector_store %arg11[%swap3A_168, %swap3A_169], %select_n3A_167 {strides = array<i32>} : memref<2048x128xi32, #tpu.memory_space<vmem>>, vector<2048x128xi32>,
      %get3A_171 = arith.constant 0 : index
      %get3A_172 = arith.constant 0 : index
      %get3A_173 = vector.load %arg10[%get3A_171, %get3A_172] : memref<2048x128xf32, #tpu.memory_space<vmem>>, vector<2048x128xf32>
      %select_n3A_174 = arith.select %and3A, %slice3A_154, %get3A_173 : vector<2048x128xi1>, vector<2048x128xf32>
      %swap3A_175 = arith.constant 0 : index
      %swap3A_176 = arith.constant 0 : index
      %swap3A_177 = vector.load %arg10[%swap3A_175, %swap3A_176] : memref<2048x128xf32, #tpu.memory_space<vmem>>, vector<2048x128xf32>
      tpu.vector_store %arg10[%swap3A_175, %swap3A_176], %select_n3A_174 {strides = array<i32>} : memref<2048x128xf32, #tpu.memory_space<vmem>>, vector<2048x128xf32>,
      %get3A_178 = arith.constant 0 : index
      %get3A_179 = arith.constant 0 : index
      %get3A_180 = vector.load %arg10[%get3A_178, %get3A_179] : memref<2048x128xf32, #tpu.memory_space<vmem>>, vector<2048x128xf32>
      %reduce_min3A = arith.constant dense<0x7F800000> : vector<2048xf32>
      %reduce_min3A_181 = vector.multi_reduction <minimumf>, %get3A_180, %reduce_min3A [1] : vector<2048x128xf32> to vector<2048xf32>
      %broadcast_in_dim3A_182 = vector.shape_cast %reduce_min3A_181 : vector<2048xf32> to vector<2048x1xf32>
      %get3A_183 = arith.constant 0 : index
      %get3A_184 = arith.constant 0 : index
      %get3A_185 = vector.load %arg11[%get3A_183, %get3A_184] : memref<2048x128xi32, #tpu.memory_space<vmem>>, vector<2048x128xi32>
      %mul3A_186 = arith.constant 128 : i32
      %mul3A_187 = vector.broadcast %mul3A_186 : i32 to vector<2048x128xi32>
      %mul3A_188 = arith.muli %get3A_185, %mul3A_187 : vector<2048x128xi32>
      %add3A_189 = arith.addi %mul3A_188, %iota3A : vector<2048x128xi32>
      %get3A_190 = arith.constant 0 : index
      %get3A_191 = arith.constant 0 : index
      %get3A_192 = vector.load %arg10[%get3A_190, %get3A_191] : memref<2048x128xf32, #tpu.memory_space<vmem>>, vector<2048x128xf32>
      %eq3A_193 = vector.broadcast %broadcast_in_dim3A_182 : vector<2048x1xf32> to vector<2048x128xf32>
      %eq3A_194 = arith.cmpf oeq, %get3A_192, %eq3A_193 : vector<2048x128xf32>
      %jit3A = arith.constant 8192 : i32
      %broadcast_in_dim3A_195 = vector.broadcast %jit3A : i32 to vector<2048x128xi32>
      %select_n3A_196 = arith.select %eq3A_194, %add3A_189, %broadcast_in_dim3A_195 : vector<2048x128xi1>, vector<2048x128xi32>
      %reduce_min3A_197 = arith.constant dense<2147483647> : vector<2048xi32>
      %reduce_min3A_198 = vector.multi_reduction <minsi>, %select_n3A_196, %reduce_min3A_197 [1] : vector<2048x128xi32> to vector<2048xi32>
      %broadcast_in_dim3A_199 = vector.shape_cast %reduce_min3A_198 : vector<2048xi32> to vector<2048x1xi32>
      %get3A_200 = arith.constant 0 : index
      %get3A_201 = arith.constant 0 : index
      %get3A_202 = vector.load %arg8[%get3A_200, %get3A_201] : memref<2048x1xf32, #tpu.memory_space<vmem>>, vector<2048x1xf32>
      %lt3A_203 = arith.cmpf olt, %broadcast_in_dim3A_182, %get3A_202 : vector<2048x1xf32>
      %get3A_204 = arith.constant 0 : index
      %get3A_205 = arith.constant 0 : index
      %get3A_206 = vector.load %arg9[%get3A_204, %get3A_205] : memref<2048x1xi32, #tpu.memory_space<vmem>>, vector<2048x1xi32>
      %select_n3A_207 = arith.select %lt3A_203, %broadcast_in_dim3A_199, %get3A_206 : vector<2048x1xi1>, vector<2048x1xi32>
      %swap3A_208 = arith.constant 0 : index
      %swap3A_209 = arith.constant 0 : index
      %swap3A_210 = vector.load %arg9[%swap3A_208, %swap3A_209] : memref<2048x1xi32, #tpu.memory_space<vmem>>, vector<2048x1xi32>
      tpu.vector_store %arg9[%swap3A_208, %swap3A_209], %select_n3A_207 {strides = array<i32>} : memref<2048x1xi32, #tpu.memory_space<vmem>>, vector<2048x1xi32>,
      %get3A_211 = arith.constant 0 : index
      %get3A_212 = arith.constant 0 : index
      %get3A_213 = vector.load %arg8[%get3A_211, %get3A_212] : memref<2048x1xf32, #tpu.memory_space<vmem>>, vector<2048x1xf32>
      %select_n3A_214 = arith.select %lt3A_203, %broadcast_in_dim3A_182, %get3A_213 : vector<2048x1xi1>, vector<2048x1xf32>
      %swap3A_215 = arith.constant 0 : index
      %swap3A_216 = arith.constant 0 : index
      %swap3A_217 = vector.load %arg8[%swap3A_215, %swap3A_216] : memref<2048x1xf32, #tpu.memory_space<vmem>>, vector<2048x1xf32>
      tpu.vector_store %arg8[%swap3A_215, %swap3A_216], %select_n3A_214 {strides = array<i32>} : memref<2048x1xf32, #tpu.memory_space<vmem>>, vector<2048x1xf32>,
      %broadcast_in_dim3A_218 = arith.constant 0x7F800000 : f32
      %broadcast_in_dim3A_219 = vector.broadcast %broadcast_in_dim3A_218 : f32 to vector<2048x128xf32>
      %swap3A_220 = arith.constant 0 : index
      %swap3A_221 = arith.constant 0 : index
      %swap3A_222 = vector.load %arg10[%swap3A_220, %swap3A_221] : memref<2048x128xf32, #tpu.memory_space<vmem>>, vector<2048x128xf32>
      tpu.vector_store %arg10[%swap3A_220, %swap3A_221], %broadcast_in_dim3A_219 {strides = array<i32>} : memref<2048x128xf32, #tpu.memory_space<vmem>>, vector<2048x128xf32>,
      %broadcast_in_dim3A_223 = arith.constant 0 : i32
      %broadcast_in_dim3A_224 = vector.broadcast %broadcast_in_dim3A_223 : i32 to vector<2048x128xi32>
      %swap3A_225 = arith.constant 0 : index
      %swap3A_226 = arith.constant 0 : index
      %swap3A_227 = vector.load %arg11[%swap3A_225, %swap3A_226] : memref<2048x128xi32, #tpu.memory_space<vmem>>, vector<2048x128xi32>
      tpu.vector_store %arg11[%swap3A_225, %swap3A_226], %broadcast_in_dim3A_224 {strides = array<i32>} : memref<2048x128xi32, #tpu.memory_space<vmem>>, vector<2048x128xi32>,
      %ge3A = arith.constant 48 : i32
      %ge3A_228 = vector.broadcast %ge3A : i32 to vector<2048x128xi32>
      %ge3A_229 = arith.cmpi sge, %iota3A, %ge3A_228 : vector<2048x128xi32>
      %slice3A_230 = vector.extract_strided_slice %add3A_14 {offsets = [0, 640], sizes = [2048, 128], strides = [1, 1]} : vector<2048x2048xf32> to vector<2048x128xf32>
      %get3A_231 = arith.constant 0 : index
      %get3A_232 = arith.constant 0 : index
      %get3A_233 = vector.load %arg10[%get3A_231, %get3A_232] : memref<2048x128xf32, #tpu.memory_space<vmem>>, vector<2048x128xf32>
      %lt3A_234 = arith.cmpf olt, %slice3A_230, %get3A_233 : vector<2048x128xf32>
      %and3A_235 = arith.andi %lt3A_234, %ge3A_229 : vector<2048x128xi1>
      %mul3A_236 = arith.constant 16 : i32
      %mul3A_237 = arith.muli %arg1, %mul3A_236 : i32
      %add3A_238 = arith.constant 5 : i32
      %add3A_239 = arith.addi %mul3A_237, %add3A_238 : i32
      %get3A_240 = arith.constant 0 : index
      %get3A_241 = arith.constant 0 : index
      %get3A_242 = vector.load %arg11[%get3A_240, %get3A_241] : memref<2048x128xi32, #tpu.memory_space<vmem>>, vector<2048x128xi32>
      %broadcast_in_dim3A_243 = vector.broadcast %add3A_239 : i32 to vector<2048x128xi32>
      %select_n3A_244 = arith.select %and3A_235, %broadcast_in_dim3A_243, %get3A_242 : vector<2048x128xi1>, vector<2048x128xi32>
      %swap3A_245 = arith.constant 0 : index
      %swap3A_246 = arith.constant 0 : index
      %swap3A_247 = vector.load %arg11[%swap3A_245, %swap3A_246] : memref<2048x128xi32, #tpu.memory_space<vmem>>, vector<2048x128xi32>
      tpu.vector_store %arg11[%swap3A_245, %swap3A_246], %select_n3A_244 {strides = array<i32>} : memref<2048x128xi32, #tpu.memory_space<vmem>>, vector<2048x128xi32>,
      %get3A_248 = arith.constant 0 : index
      %get3A_249 = arith.constant 0 : index
      %get3A_250 = vector.load %arg10[%get3A_248, %get3A_249] : memref<2048x128xf32, #tpu.memory_space<vmem>>, vector<2048x128xf32>
      %select_n3A_251 = arith.select %and3A_235, %slice3A_230, %get3A_250 : vector<2048x128xi1>, vector<2048x128xf32>
      %swap3A_252 = arith.constant 0 : index
      %swap3A_253 = arith.constant 0 : index
      %swap3A_254 = vector.load %arg10[%swap3A_252, %swap3A_253] : memref<2048x128xf32, #tpu.memory_space<vmem>>, vector<2048x128xf32>
      tpu.vector_store %arg10[%swap3A_252, %swap3A_253], %select_n3A_251 {strides = array<i32>} : memref<2048x128xf32, #tpu.memory_space<vmem>>, vector<2048x128xf32>,
      %slice3A_255 = vector.extract_strided_slice %add3A_14 {offsets = [0, 768], sizes = [2048, 128], strides = [1, 1]} : vector<2048x2048xf32> to vector<2048x128xf32>
      %get3A_256 = arith.constant 0 : index
      %get3A_257 = arith.constant 0 : index
      %get3A_258 = vector.load %arg10[%get3A_256, %get3A_257] : memref<2048x128xf32, #tpu.memory_space<vmem>>, vector<2048x128xf32>
      %lt3A_259 = arith.cmpf olt, %slice3A_255, %get3A_258 : vector<2048x128xf32>
      %mul3A_260 = arith.constant 16 : i32
      %mul3A_261 = arith.muli %arg1, %mul3A_260 : i32
      %add3A_262 = arith.constant 6 : i32
      %add3A_263 = arith.addi %mul3A_261, %add3A_262 : i32
      %get3A_264 = arith.constant 0 : index
      %get3A_265 = arith.constant 0 : index
      %get3A_266 = vector.load %arg11[%get3A_264, %get3A_265] : memref<2048x128xi32, #tpu.memory_space<vmem>>, vector<2048x128xi32>
      %broadcast_in_dim3A_267 = vector.broadcast %add3A_263 : i32 to vector<2048x128xi32>
      %select_n3A_268 = arith.select %lt3A_259, %broadcast_in_dim3A_267, %get3A_266 : vector<2048x128xi1>, vector<2048x128xi32>
      %swap3A_269 = arith.constant 0 : index
      %swap3A_270 = arith.constant 0 : index
      %swap3A_271 = vector.load %arg11[%swap3A_269, %swap3A_270] : memref<2048x128xi32, #tpu.memory_space<vmem>>, vector<2048x128xi32>
      tpu.vector_store %arg11[%swap3A_269, %swap3A_270], %select_n3A_268 {strides = array<i32>} : memref<2048x128xi32, #tpu.memory_space<vmem>>, vector<2048x128xi32>,
      %get3A_272 = arith.constant 0 : index
      %get3A_273 = arith.constant 0 : index
      %get3A_274 = vector.load %arg10[%get3A_272, %get3A_273] : memref<2048x128xf32, #tpu.memory_space<vmem>>, vector<2048x128xf32>
      %select_n3A_275 = arith.select %lt3A_259, %slice3A_255, %get3A_274 : vector<2048x128xi1>, vector<2048x128xf32>
      %swap3A_276 = arith.constant 0 : index
      %swap3A_277 = arith.constant 0 : index
      %swap3A_278 = vector.load %arg10[%swap3A_276, %swap3A_277] : memref<2048x128xf32, #tpu.memory_space<vmem>>, vector<2048x128xf32>
      tpu.vector_store %arg10[%swap3A_276, %swap3A_277], %select_n3A_275 {strides = array<i32>} : memref<2048x128xf32, #tpu.memory_space<vmem>>, vector<2048x128xf32>,
      %slice3A_279 = vector.extract_strided_slice %add3A_14 {offsets = [0, 896], sizes = [2048, 128], strides = [1, 1]} : vector<2048x2048xf32> to vector<2048x128xf32>
      %get3A_280 = arith.constant 0 : index
      %get3A_281 = arith.constant 0 : index
      %get3A_282 = vector.load %arg10[%get3A_280, %get3A_281] : memref<2048x128xf32, #tpu.memory_space<vmem>>, vector<2048x128xf32>
      %lt3A_283 = arith.cmpf olt, %slice3A_279, %get3A_282 : vector<2048x128xf32>
      %mul3A_284 = arith.constant 16 : i32
      %mul3A_285 = arith.muli %arg1, %mul3A_284 : i32
      %add3A_286 = arith.constant 7 : i32
      %add3A_287 = arith.addi %mul3A_285, %add3A_286 : i32
      %get3A_288 = arith.constant 0 : index
      %get3A_289 = arith.constant 0 : index
      %get3A_290 = vector.load %arg11[%get3A_288, %get3A_289] : memref<2048x128xi32, #tpu.memory_space<vmem>>, vector<2048x128xi32>
      %broadcast_in_dim3A_291 = vector.broadcast %add3A_287 : i32 to vector<2048x128xi32>
      %select_n3A_292 = arith.select %lt3A_283, %broadcast_in_dim3A_291, %get3A_290 : vector<2048x128xi1>, vector<2048x128xi32>
      %swap3A_293 = arith.constant 0 : index
      %swap3A_294 = arith.constant 0 : index
      %swap3A_295 = vector.load %arg11[%swap3A_293, %swap3A_294] : memref<2048x128xi32, #tpu.memory_space<vmem>>, vector<2048x128xi32>
      tpu.vector_store %arg11[%swap3A_293, %swap3A_294], %select_n3A_292 {strides = array<i32>} : memref<2048x128xi32, #tpu.memory_space<vmem>>, vector<2048x128xi32>,
      %get3A_296 = arith.constant 0 : index
      %get3A_297 = arith.constant 0 : index
      %get3A_298 = vector.load %arg10[%get3A_296, %get3A_297] : memref<2048x128xf32, #tpu.memory_space<vmem>>, vector<2048x128xf32>
      %select_n3A_299 = arith.select %lt3A_283, %slice3A_279, %get3A_298 : vector<2048x128xi1>, vector<2048x128xf32>
      %swap3A_300 = arith.constant 0 : index
      %swap3A_301 = arith.constant 0 : index
      %swap3A_302 = vector.load %arg10[%swap3A_300, %swap3A_301] : memref<2048x128xf32, #tpu.memory_space<vmem>>, vector<2048x128xf32>
      tpu.vector_store %arg10[%swap3A_300, %swap3A_301], %select_n3A_299 {strides = array<i32>} : memref<2048x128xf32, #tpu.memory_space<vmem>>, vector<2048x128xf32>,
      %slice3A_303 = vector.extract_strided_slice %add3A_14 {offsets = [0, 1024], sizes = [2048, 128], strides = [1, 1]} : vector<2048x2048xf32> to vector<2048x128xf32>
      %get3A_304 = arith.constant 0 : index
      %get3A_305 = arith.constant 0 : index
      %get3A_306 = vector.load %arg10[%get3A_304, %get3A_305] : memref<2048x128xf32, #tpu.memory_space<vmem>>, vector<2048x128xf32>
      %lt3A_307 = arith.cmpf olt, %slice3A_303, %get3A_306 : vector<2048x128xf32>
      %mul3A_308 = arith.constant 16 : i32
      %mul3A_309 = arith.muli %arg1, %mul3A_308 : i32
      %add3A_310 = arith.constant 8 : i32
      %add3A_311 = arith.addi %mul3A_309, %add3A_310 : i32
      %get3A_312 = arith.constant 0 : index
      %get3A_313 = arith.constant 0 : index
      %get3A_314 = vector.load %arg11[%get3A_312, %get3A_313] : memref<2048x128xi32, #tpu.memory_space<vmem>>, vector<2048x128xi32>
      %broadcast_in_dim3A_315 = vector.broadcast %add3A_311 : i32 to vector<2048x128xi32>
      %select_n3A_316 = arith.select %lt3A_307, %broadcast_in_dim3A_315, %get3A_314 : vector<2048x128xi1>, vector<2048x128xi32>
      %swap3A_317 = arith.constant 0 : index
      %swap3A_318 = arith.constant 0 : index
      %swap3A_319 = vector.load %arg11[%swap3A_317, %swap3A_318] : memref<2048x128xi32, #tpu.memory_space<vmem>>, vector<2048x128xi32>
      tpu.vector_store %arg11[%swap3A_317, %swap3A_318], %select_n3A_316 {strides = array<i32>} : memref<2048x128xi32, #tpu.memory_space<vmem>>, vector<2048x128xi32>,
      %get3A_320 = arith.constant 0 : index
      %get3A_321 = arith.constant 0 : index
      %get3A_322 = vector.load %arg10[%get3A_320, %get3A_321] : memref<2048x128xf32, #tpu.memory_space<vmem>>, vector<2048x128xf32>
      %select_n3A_323 = arith.select %lt3A_307, %slice3A_303, %get3A_322 : vector<2048x128xi1>, vector<2048x128xf32>
      %swap3A_324 = arith.constant 0 : index
      %swap3A_325 = arith.constant 0 : index
      %swap3A_326 = vector.load %arg10[%swap3A_324, %swap3A_325] : memref<2048x128xf32, #tpu.memory_space<vmem>>, vector<2048x128xf32>
      tpu.vector_store %arg10[%swap3A_324, %swap3A_325], %select_n3A_323 {strides = array<i32>} : memref<2048x128xf32, #tpu.memory_space<vmem>>, vector<2048x128xf32>,
      %slice3A_327 = vector.extract_strided_slice %add3A_14 {offsets = [0, 1152], sizes = [2048, 128], strides = [1, 1]} : vector<2048x2048xf32> to vector<2048x128xf32>
      %get3A_328 = arith.constant 0 : index
      %get3A_329 = arith.constant 0 : index
      %get3A_330 = vector.load %arg10[%get3A_328, %get3A_329] : memref<2048x128xf32, #tpu.memory_space<vmem>>, vector<2048x128xf32>
      %lt3A_331 = arith.cmpf olt, %slice3A_327, %get3A_330 : vector<2048x128xf32>
      %mul3A_332 = arith.constant 16 : i32
      %mul3A_333 = arith.muli %arg1, %mul3A_332 : i32
      %add3A_334 = arith.constant 9 : i32
      %add3A_335 = arith.addi %mul3A_333, %add3A_334 : i32
      %get3A_336 = arith.constant 0 : index
      %get3A_337 = arith.constant 0 : index
      %get3A_338 = vector.load %arg11[%get3A_336, %get3A_337] : memref<2048x128xi32, #tpu.memory_space<vmem>>, vector<2048x128xi32>
      %broadcast_in_dim3A_339 = vector.broadcast %add3A_335 : i32 to vector<2048x128xi32>
      %select_n3A_340 = arith.select %lt3A_331, %broadcast_in_dim3A_339, %get3A_338 : vector<2048x128xi1>, vector<2048x128xi32>
      %swap3A_341 = arith.constant 0 : index
      %swap3A_342 = arith.constant 0 : index
      %swap3A_343 = vector.load %arg11[%swap3A_341, %swap3A_342] : memref<2048x128xi32, #tpu.memory_space<vmem>>, vector<2048x128xi32>
      tpu.vector_store %arg11[%swap3A_341, %swap3A_342], %select_n3A_340 {strides = array<i32>} : memref<2048x128xi32, #tpu.memory_space<vmem>>, vector<2048x128xi32>,
      %get3A_344 = arith.constant 0 : index
      %get3A_345 = arith.constant 0 : index
      %get3A_346 = vector.load %arg10[%get3A_344, %get3A_345] : memref<2048x128xf32, #tpu.memory_space<vmem>>, vector<2048x128xf32>
      %select_n3A_347 = arith.select %lt3A_331, %slice3A_327, %get3A_346 : vector<2048x128xi1>, vector<2048x128xf32>
      %swap3A_348 = arith.constant 0 : index
      %swap3A_349 = arith.constant 0 : index
      %swap3A_350 = vector.load %arg10[%swap3A_348, %swap3A_349] : memref<2048x128xf32, #tpu.memory_space<vmem>>, vector<2048x128xf32>
      tpu.vector_store %arg10[%swap3A_348, %swap3A_349], %select_n3A_347 {strides = array<i32>} : memref<2048x128xf32, #tpu.memory_space<vmem>>, vector<2048x128xf32>,
      %slice3A_351 = vector.extract_strided_slice %add3A_14 {offsets = [0, 1280], sizes = [2048, 128], strides = [1, 1]} : vector<2048x2048xf32> to vector<2048x128xf32>
      %get3A_352 = arith.constant 0 : index
      %get3A_353 = arith.constant 0 : index
      %get3A_354 = vector.load %arg10[%get3A_352, %get3A_353] : memref<2048x128xf32, #tpu.memory_space<vmem>>, vector<2048x128xf32>
      %lt3A_355 = arith.cmpf olt, %slice3A_351, %get3A_354 : vector<2048x128xf32>
      %mul3A_356 = arith.constant 16 : i32
      %mul3A_357 = arith.muli %arg1, %mul3A_356 : i32
      %add3A_358 = arith.constant 10 : i32
      %add3A_359 = arith.addi %mul3A_357, %add3A_358 : i32
      %get3A_360 = arith.constant 0 : index
      %get3A_361 = arith.constant 0 : index
      %get3A_362 = vector.load %arg11[%get3A_360, %get3A_361] : memref<2048x128xi32, #tpu.memory_space<vmem>>, vector<2048x128xi32>
      %broadcast_in_dim3A_363 = vector.broadcast %add3A_359 : i32 to vector<2048x128xi32>
      %select_n3A_364 = arith.select %lt3A_355, %broadcast_in_dim3A_363, %get3A_362 : vector<2048x128xi1>, vector<2048x128xi32>
      %swap3A_365 = arith.constant 0 : index
      %swap3A_366 = arith.constant 0 : index
      %swap3A_367 = vector.load %arg11[%swap3A_365, %swap3A_366] : memref<2048x128xi32, #tpu.memory_space<vmem>>, vector<2048x128xi32>
      tpu.vector_store %arg11[%swap3A_365, %swap3A_366], %select_n3A_364 {strides = array<i32>} : memref<2048x128xi32, #tpu.memory_space<vmem>>, vector<2048x128xi32>,
      %get3A_368 = arith.constant 0 : index
      %get3A_369 = arith.constant 0 : index
      %get3A_370 = vector.load %arg10[%get3A_368, %get3A_369] : memref<2048x128xf32, #tpu.memory_space<vmem>>, vector<2048x128xf32>
      %select_n3A_371 = arith.select %lt3A_355, %slice3A_351, %get3A_370 : vector<2048x128xi1>, vector<2048x128xf32>
      %swap3A_372 = arith.constant 0 : index
      %swap3A_373 = arith.constant 0 : index
      %swap3A_374 = vector.load %arg10[%swap3A_372, %swap3A_373] : memref<2048x128xf32, #tpu.memory_space<vmem>>, vector<2048x128xf32>
      tpu.vector_store %arg10[%swap3A_372, %swap3A_373], %select_n3A_371 {strides = array<i32>} : memref<2048x128xf32, #tpu.memory_space<vmem>>, vector<2048x128xf32>,
      %slice3A_375 = vector.extract_strided_slice %add3A_14 {offsets = [0, 1408], sizes = [2048, 128], strides = [1, 1]} : vector<2048x2048xf32> to vector<2048x128xf32>
      %get3A_376 = arith.constant 0 : index
      %get3A_377 = arith.constant 0 : index
      %get3A_378 = vector.load %arg10[%get3A_376, %get3A_377] : memref<2048x128xf32, #tpu.memory_space<vmem>>, vector<2048x128xf32>
      %lt3A_379 = arith.cmpf olt, %slice3A_375, %get3A_378 : vector<2048x128xf32>
      %mul3A_380 = arith.constant 16 : i32
      %mul3A_381 = arith.muli %arg1, %mul3A_380 : i32
      %add3A_382 = arith.constant 11 : i32
      %add3A_383 = arith.addi %mul3A_381, %add3A_382 : i32
      %get3A_384 = arith.constant 0 : index
      %get3A_385 = arith.constant 0 : index
      %get3A_386 = vector.load %arg11[%get3A_384, %get3A_385] : memref<2048x128xi32, #tpu.memory_space<vmem>>, vector<2048x128xi32>
      %broadcast_in_dim3A_387 = vector.broadcast %add3A_383 : i32 to vector<2048x128xi32>
      %select_n3A_388 = arith.select %lt3A_379, %broadcast_in_dim3A_387, %get3A_386 : vector<2048x128xi1>, vector<2048x128xi32>
      %swap3A_389 = arith.constant 0 : index
      %swap3A_390 = arith.constant 0 : index
      %swap3A_391 = vector.load %arg11[%swap3A_389, %swap3A_390] : memref<2048x128xi32, #tpu.memory_space<vmem>>, vector<2048x128xi32>
      tpu.vector_store %arg11[%swap3A_389, %swap3A_390], %select_n3A_388 {strides = array<i32>} : memref<2048x128xi32, #tpu.memory_space<vmem>>, vector<2048x128xi32>,
      %get3A_392 = arith.constant 0 : index
      %get3A_393 = arith.constant 0 : index
      %get3A_394 = vector.load %arg10[%get3A_392, %get3A_393] : memref<2048x128xf32, #tpu.memory_space<vmem>>, vector<2048x128xf32>
      %select_n3A_395 = arith.select %lt3A_379, %slice3A_375, %get3A_394 : vector<2048x128xi1>, vector<2048x128xf32>
      %swap3A_396 = arith.constant 0 : index
      %swap3A_397 = arith.constant 0 : index
      %swap3A_398 = vector.load %arg10[%swap3A_396, %swap3A_397] : memref<2048x128xf32, #tpu.memory_space<vmem>>, vector<2048x128xf32>
      tpu.vector_store %arg10[%swap3A_396, %swap3A_397], %select_n3A_395 {strides = array<i32>} : memref<2048x128xf32, #tpu.memory_space<vmem>>, vector<2048x128xf32>,
      %slice3A_399 = vector.extract_strided_slice %add3A_14 {offsets = [0, 1536], sizes = [2048, 128], strides = [1, 1]} : vector<2048x2048xf32> to vector<2048x128xf32>
      %get3A_400 = arith.constant 0 : index
      %get3A_401 = arith.constant 0 : index
      %get3A_402 = vector.load %arg10[%get3A_400, %get3A_401] : memref<2048x128xf32, #tpu.memory_space<vmem>>, vector<2048x128xf32>
      %lt3A_403 = arith.cmpf olt, %slice3A_399, %get3A_402 : vector<2048x128xf32>
      %mul3A_404 = arith.constant 16 : i32
      %mul3A_405 = arith.muli %arg1, %mul3A_404 : i32
      %add3A_406 = arith.constant 12 : i32
      %add3A_407 = arith.addi %mul3A_405, %add3A_406 : i32
      %get3A_408 = arith.constant 0 : index
      %get3A_409 = arith.constant 0 : index
      %get3A_410 = vector.load %arg11[%get3A_408, %get3A_409] : memref<2048x128xi32, #tpu.memory_space<vmem>>, vector<2048x128xi32>
      %broadcast_in_dim3A_411 = vector.broadcast %add3A_407 : i32 to vector<2048x128xi32>
      %select_n3A_412 = arith.select %lt3A_403, %broadcast_in_dim3A_411, %get3A_410 : vector<2048x128xi1>, vector<2048x128xi32>
      %swap3A_413 = arith.constant 0 : index
      %swap3A_414 = arith.constant 0 : index
      %swap3A_415 = vector.load %arg11[%swap3A_413, %swap3A_414] : memref<2048x128xi32, #tpu.memory_space<vmem>>, vector<2048x128xi32>
      tpu.vector_store %arg11[%swap3A_413, %swap3A_414], %select_n3A_412 {strides = array<i32>} : memref<2048x128xi32, #tpu.memory_space<vmem>>, vector<2048x128xi32>,
      %get3A_416 = arith.constant 0 : index
      %get3A_417 = arith.constant 0 : index
      %get3A_418 = vector.load %arg10[%get3A_416, %get3A_417] : memref<2048x128xf32, #tpu.memory_space<vmem>>, vector<2048x128xf32>
      %select_n3A_419 = arith.select %lt3A_403, %slice3A_399, %get3A_418 : vector<2048x128xi1>, vector<2048x128xf32>
      %swap3A_420 = arith.constant 0 : index
      %swap3A_421 = arith.constant 0 : index
      %swap3A_422 = vector.load %arg10[%swap3A_420, %swap3A_421] : memref<2048x128xf32, #tpu.memory_space<vmem>>, vector<2048x128xf32>
      tpu.vector_store %arg10[%swap3A_420, %swap3A_421], %select_n3A_419 {strides = array<i32>} : memref<2048x128xf32, #tpu.memory_space<vmem>>, vector<2048x128xf32>,
      %slice3A_423 = vector.extract_strided_slice %add3A_14 {offsets = [0, 1664], sizes = [2048, 128], strides = [1, 1]} : vector<2048x2048xf32> to vector<2048x128xf32>
      %get3A_424 = arith.constant 0 : index
      %get3A_425 = arith.constant 0 : index
      %get3A_426 = vector.load %arg10[%get3A_424, %get3A_425] : memref<2048x128xf32, #tpu.memory_space<vmem>>, vector<2048x128xf32>
      %lt3A_427 = arith.cmpf olt, %slice3A_423, %get3A_426 : vector<2048x128xf32>
      %mul3A_428 = arith.constant 16 : i32
      %mul3A_429 = arith.muli %arg1, %mul3A_428 : i32
      %add3A_430 = arith.constant 13 : i32
      %add3A_431 = arith.addi %mul3A_429, %add3A_430 : i32
      %get3A_432 = arith.constant 0 : index
      %get3A_433 = arith.constant 0 : index
      %get3A_434 = vector.load %arg11[%get3A_432, %get3A_433] : memref<2048x128xi32, #tpu.memory_space<vmem>>, vector<2048x128xi32>
      %broadcast_in_dim3A_435 = vector.broadcast %add3A_431 : i32 to vector<2048x128xi32>
      %select_n3A_436 = arith.select %lt3A_427, %broadcast_in_dim3A_435, %get3A_434 : vector<2048x128xi1>, vector<2048x128xi32>
      %swap3A_437 = arith.constant 0 : index
      %swap3A_438 = arith.constant 0 : index
      %swap3A_439 = vector.load %arg11[%swap3A_437, %swap3A_438] : memref<2048x128xi32, #tpu.memory_space<vmem>>, vector<2048x128xi32>
      tpu.vector_store %arg11[%swap3A_437, %swap3A_438], %select_n3A_436 {strides = array<i32>} : memref<2048x128xi32, #tpu.memory_space<vmem>>, vector<2048x128xi32>,
      %get3A_440 = arith.constant 0 : index
      %get3A_441 = arith.constant 0 : index
      %get3A_442 = vector.load %arg10[%get3A_440, %get3A_441] : memref<2048x128xf32, #tpu.memory_space<vmem>>, vector<2048x128xf32>
      %select_n3A_443 = arith.select %lt3A_427, %slice3A_423, %get3A_442 : vector<2048x128xi1>, vector<2048x128xf32>
      %swap3A_444 = arith.constant 0 : index
      %swap3A_445 = arith.constant 0 : index
      %swap3A_446 = vector.load %arg10[%swap3A_444, %swap3A_445] : memref<2048x128xf32, #tpu.memory_space<vmem>>, vector<2048x128xf32>
      tpu.vector_store %arg10[%swap3A_444, %swap3A_445], %select_n3A_443 {strides = array<i32>} : memref<2048x128xf32, #tpu.memory_space<vmem>>, vector<2048x128xf32>,
      %slice3A_447 = vector.extract_strided_slice %add3A_14 {offsets = [0, 1792], sizes = [2048, 128], strides = [1, 1]} : vector<2048x2048xf32> to vector<2048x128xf32>
      %get3A_448 = arith.constant 0 : index
      %get3A_449 = arith.constant 0 : index
      %get3A_450 = vector.load %arg10[%get3A_448, %get3A_449] : memref<2048x128xf32, #tpu.memory_space<vmem>>, vector<2048x128xf32>
      %lt3A_451 = arith.cmpf olt, %slice3A_447, %get3A_450 : vector<2048x128xf32>
      %mul3A_452 = arith.constant 16 : i32
      %mul3A_453 = arith.muli %arg1, %mul3A_452 : i32
      %add3A_454 = arith.constant 14 : i32
      %add3A_455 = arith.addi %mul3A_453, %add3A_454 : i32
      %get3A_456 = arith.constant 0 : index
      %get3A_457 = arith.constant 0 : index
      %get3A_458 = vector.load %arg11[%get3A_456, %get3A_457] : memref<2048x128xi32, #tpu.memory_space<vmem>>, vector<2048x128xi32>
      %broadcast_in_dim3A_459 = vector.broadcast %add3A_455 : i32 to vector<2048x128xi32>
      %select_n3A_460 = arith.select %lt3A_451, %broadcast_in_dim3A_459, %get3A_458 : vector<2048x128xi1>, vector<2048x128xi32>
      %swap3A_461 = arith.constant 0 : index
      %swap3A_462 = arith.constant 0 : index
      %swap3A_463 = vector.load %arg11[%swap3A_461, %swap3A_462] : memref<2048x128xi32, #tpu.memory_space<vmem>>, vector<2048x128xi32>
      tpu.vector_store %arg11[%swap3A_461, %swap3A_462], %select_n3A_460 {strides = array<i32>} : memref<2048x128xi32, #tpu.memory_space<vmem>>, vector<2048x128xi32>,
      %get3A_464 = arith.constant 0 : index
      %get3A_465 = arith.constant 0 : index
      %get3A_466 = vector.load %arg10[%get3A_464, %get3A_465] : memref<2048x128xf32, #tpu.memory_space<vmem>>, vector<2048x128xf32>
      %select_n3A_467 = arith.select %lt3A_451, %slice3A_447, %get3A_466 : vector<2048x128xi1>, vector<2048x128xf32>
      %swap3A_468 = arith.constant 0 : index
      %swap3A_469 = arith.constant 0 : index
      %swap3A_470 = vector.load %arg10[%swap3A_468, %swap3A_469] : memref<2048x128xf32, #tpu.memory_space<vmem>>, vector<2048x128xf32>
      tpu.vector_store %arg10[%swap3A_468, %swap3A_469], %select_n3A_467 {strides = array<i32>} : memref<2048x128xf32, #tpu.memory_space<vmem>>, vector<2048x128xf32>,
      %slice3A_471 = vector.extract_strided_slice %add3A_14 {offsets = [0, 1920], sizes = [2048, 128], strides = [1, 1]} : vector<2048x2048xf32> to vector<2048x128xf32>
      %get3A_472 = arith.constant 0 : index
      %get3A_473 = arith.constant 0 : index
      %get3A_474 = vector.load %arg10[%get3A_472, %get3A_473] : memref<2048x128xf32, #tpu.memory_space<vmem>>, vector<2048x128xf32>
      %lt3A_475 = arith.cmpf olt, %slice3A_471, %get3A_474 : vector<2048x128xf32>
      %mul3A_476 = arith.constant 16 : i32
      %mul3A_477 = arith.muli %arg1, %mul3A_476 : i32
      %add3A_478 = arith.constant 15 : i32
      %add3A_479 = arith.addi %mul3A_477, %add3A_478 : i32
      %get3A_480 = arith.constant 0 : index
      %get3A_481 = arith.constant 0 : index
      %get3A_482 = vector.load %arg11[%get3A_480, %get3A_481] : memref<2048x128xi32, #tpu.memory_space<vmem>>, vector<2048x128xi32>
      %broadcast_in_dim3A_483 = vector.broadcast %add3A_479 : i32 to vector<2048x128xi32>
      %select_n3A_484 = arith.select %lt3A_475, %broadcast_in_dim3A_483, %get3A_482 : vector<2048x128xi1>, vector<2048x128xi32>
      %swap3A_485 = arith.constant 0 : index
      %swap3A_486 = arith.constant 0 : index
      %swap3A_487 = vector.load %arg11[%swap3A_485, %swap3A_486] : memref<2048x128xi32, #tpu.memory_space<vmem>>, vector<2048x128xi32>
      tpu.vector_store %arg11[%swap3A_485, %swap3A_486], %select_n3A_484 {strides = array<i32>} : memref<2048x128xi32, #tpu.memory_space<vmem>>, vector<2048x128xi32>,
      %get3A_488 = arith.constant 0 : index
      %get3A_489 = arith.constant 0 : index
      %get3A_490 = vector.load %arg10[%get3A_488, %get3A_489] : memref<2048x128xf32, #tpu.memory_space<vmem>>, vector<2048x128xf32>
      %select_n3A_491 = arith.select %lt3A_475, %slice3A_471, %get3A_490 : vector<2048x128xi1>, vector<2048x128xf32>
      %swap3A_492 = arith.constant 0 : index
      %swap3A_493 = arith.constant 0 : index
      %swap3A_494 = vector.load %arg10[%swap3A_492, %swap3A_493] : memref<2048x128xf32, #tpu.memory_space<vmem>>, vector<2048x128xf32>
      tpu.vector_store %arg10[%swap3A_492, %swap3A_493], %select_n3A_491 {strides = array<i32>} : memref<2048x128xf32, #tpu.memory_space<vmem>>, vector<2048x128xf32>,
    } else {
    }
    %eq3A_27 = arith.constant 2 : i32
    %eq3A_28 = arith.cmpi eq, %arg1, %eq3A_27 : i32
    %convert_element_type3A_29 = arith.extui %eq3A_28 : i1 to i32
    %cond3A_30 = arith.constant 0 : i32
    %cond3A_31 = arith.cmpi ne, %convert_element_type3A_29, %cond3A_30 : i32
    scf.if %cond3A_31 {
      %slice3A = vector.extract_strided_slice %add3A_14 {offsets = [0, 0], sizes = [2048, 128], strides = [1, 1]} : vector<2048x2048xf32> to vector<2048x128xf32>
      %get3A_37 = arith.constant 0 : index
      %get3A_38 = arith.constant 0 : index
      %get3A_39 = vector.load %arg10[%get3A_37, %get3A_38] : memref<2048x128xf32, #tpu.memory_space<vmem>>, vector<2048x128xf32>
      %lt3A = arith.cmpf olt, %slice3A, %get3A_39 : vector<2048x128xf32>
      %mul3A = arith.constant 16 : i32
      %mul3A_40 = arith.muli %arg1, %mul3A : i32
      %add3A_41 = arith.constant 0 : i32
      %add3A_42 = arith.addi %mul3A_40, %add3A_41 : i32
      %get3A_43 = arith.constant 0 : index
      %get3A_44 = arith.constant 0 : index
      %get3A_45 = vector.load %arg11[%get3A_43, %get3A_44] : memref<2048x128xi32, #tpu.memory_space<vmem>>, vector<2048x128xi32>
      %broadcast_in_dim3A = vector.broadcast %add3A_42 : i32 to vector<2048x128xi32>
      %select_n3A = arith.select %lt3A, %broadcast_in_dim3A, %get3A_45 : vector<2048x128xi1>, vector<2048x128xi32>
      %swap3A = arith.constant 0 : index
      %swap3A_46 = arith.constant 0 : index
      %swap3A_47 = vector.load %arg11[%swap3A, %swap3A_46] : memref<2048x128xi32, #tpu.memory_space<vmem>>, vector<2048x128xi32>
      tpu.vector_store %arg11[%swap3A, %swap3A_46], %select_n3A {strides = array<i32>} : memref<2048x128xi32, #tpu.memory_space<vmem>>, vector<2048x128xi32>,
      %get3A_48 = arith.constant 0 : index
      %get3A_49 = arith.constant 0 : index
      %get3A_50 = vector.load %arg10[%get3A_48, %get3A_49] : memref<2048x128xf32, #tpu.memory_space<vmem>>, vector<2048x128xf32>
      %select_n3A_51 = arith.select %lt3A, %slice3A, %get3A_50 : vector<2048x128xi1>, vector<2048x128xf32>
      %swap3A_52 = arith.constant 0 : index
      %swap3A_53 = arith.constant 0 : index
      %swap3A_54 = vector.load %arg10[%swap3A_52, %swap3A_53] : memref<2048x128xf32, #tpu.memory_space<vmem>>, vector<2048x128xf32>
      tpu.vector_store %arg10[%swap3A_52, %swap3A_53], %select_n3A_51 {strides = array<i32>} : memref<2048x128xf32, #tpu.memory_space<vmem>>, vector<2048x128xf32>,
      %slice3A_55 = vector.extract_strided_slice %add3A_14 {offsets = [0, 128], sizes = [2048, 128], strides = [1, 1]} : vector<2048x2048xf32> to vector<2048x128xf32>
      %get3A_56 = arith.constant 0 : index
      %get3A_57 = arith.constant 0 : index
      %get3A_58 = vector.load %arg10[%get3A_56, %get3A_57] : memref<2048x128xf32, #tpu.memory_space<vmem>>, vector<2048x128xf32>
      %lt3A_59 = arith.cmpf olt, %slice3A_55, %get3A_58 : vector<2048x128xf32>
      %mul3A_60 = arith.constant 16 : i32
      %mul3A_61 = arith.muli %arg1, %mul3A_60 : i32
      %add3A_62 = arith.constant 1 : i32
      %add3A_63 = arith.addi %mul3A_61, %add3A_62 : i32
      %get3A_64 = arith.constant 0 : index
      %get3A_65 = arith.constant 0 : index
      %get3A_66 = vector.load %arg11[%get3A_64, %get3A_65] : memref<2048x128xi32, #tpu.memory_space<vmem>>, vector<2048x128xi32>
      %broadcast_in_dim3A_67 = vector.broadcast %add3A_63 : i32 to vector<2048x128xi32>
      %select_n3A_68 = arith.select %lt3A_59, %broadcast_in_dim3A_67, %get3A_66 : vector<2048x128xi1>, vector<2048x128xi32>
      %swap3A_69 = arith.constant 0 : index
      %swap3A_70 = arith.constant 0 : index
      %swap3A_71 = vector.load %arg11[%swap3A_69, %swap3A_70] : memref<2048x128xi32, #tpu.memory_space<vmem>>, vector<2048x128xi32>
      tpu.vector_store %arg11[%swap3A_69, %swap3A_70], %select_n3A_68 {strides = array<i32>} : memref<2048x128xi32, #tpu.memory_space<vmem>>, vector<2048x128xi32>,
      %get3A_72 = arith.constant 0 : index
      %get3A_73 = arith.constant 0 : index
      %get3A_74 = vector.load %arg10[%get3A_72, %get3A_73] : memref<2048x128xf32, #tpu.memory_space<vmem>>, vector<2048x128xf32>
      %select_n3A_75 = arith.select %lt3A_59, %slice3A_55, %get3A_74 : vector<2048x128xi1>, vector<2048x128xf32>
      %swap3A_76 = arith.constant 0 : index
      %swap3A_77 = arith.constant 0 : index
      %swap3A_78 = vector.load %arg10[%swap3A_76, %swap3A_77] : memref<2048x128xf32, #tpu.memory_space<vmem>>, vector<2048x128xf32>
      tpu.vector_store %arg10[%swap3A_76, %swap3A_77], %select_n3A_75 {strides = array<i32>} : memref<2048x128xf32, #tpu.memory_space<vmem>>, vector<2048x128xf32>,
      %slice3A_79 = vector.extract_strided_slice %add3A_14 {offsets = [0, 256], sizes = [2048, 128], strides = [1, 1]} : vector<2048x2048xf32> to vector<2048x128xf32>
      %get3A_80 = arith.constant 0 : index
      %get3A_81 = arith.constant 0 : index
      %get3A_82 = vector.load %arg10[%get3A_80, %get3A_81] : memref<2048x128xf32, #tpu.memory_space<vmem>>, vector<2048x128xf32>
      %lt3A_83 = arith.cmpf olt, %slice3A_79, %get3A_82 : vector<2048x128xf32>
      %mul3A_84 = arith.constant 16 : i32
      %mul3A_85 = arith.muli %arg1, %mul3A_84 : i32
      %add3A_86 = arith.constant 2 : i32
      %add3A_87 = arith.addi %mul3A_85, %add3A_86 : i32
      %get3A_88 = arith.constant 0 : index
      %get3A_89 = arith.constant 0 : index
      %get3A_90 = vector.load %arg11[%get3A_88, %get3A_89] : memref<2048x128xi32, #tpu.memory_space<vmem>>, vector<2048x128xi32>
      %broadcast_in_dim3A_91 = vector.broadcast %add3A_87 : i32 to vector<2048x128xi32>
      %select_n3A_92 = arith.select %lt3A_83, %broadcast_in_dim3A_91, %get3A_90 : vector<2048x128xi1>, vector<2048x128xi32>
      %swap3A_93 = arith.constant 0 : index
      %swap3A_94 = arith.constant 0 : index
      %swap3A_95 = vector.load %arg11[%swap3A_93, %swap3A_94] : memref<2048x128xi32, #tpu.memory_space<vmem>>, vector<2048x128xi32>
      tpu.vector_store %arg11[%swap3A_93, %swap3A_94], %select_n3A_92 {strides = array<i32>} : memref<2048x128xi32, #tpu.memory_space<vmem>>, vector<2048x128xi32>,
      %get3A_96 = arith.constant 0 : index
      %get3A_97 = arith.constant 0 : index
      %get3A_98 = vector.load %arg10[%get3A_96, %get3A_97] : memref<2048x128xf32, #tpu.memory_space<vmem>>, vector<2048x128xf32>
      %select_n3A_99 = arith.select %lt3A_83, %slice3A_79, %get3A_98 : vector<2048x128xi1>, vector<2048x128xf32>
      %swap3A_100 = arith.constant 0 : index
      %swap3A_101 = arith.constant 0 : index
      %swap3A_102 = vector.load %arg10[%swap3A_100, %swap3A_101] : memref<2048x128xf32, #tpu.memory_space<vmem>>, vector<2048x128xf32>
      tpu.vector_store %arg10[%swap3A_100, %swap3A_101], %select_n3A_99 {strides = array<i32>} : memref<2048x128xf32, #tpu.memory_space<vmem>>, vector<2048x128xf32>,
      %slice3A_103 = vector.extract_strided_slice %add3A_14 {offsets = [0, 384], sizes = [2048, 128], strides = [1, 1]} : vector<2048x2048xf32> to vector<2048x128xf32>
      %get3A_104 = arith.constant 0 : index
      %get3A_105 = arith.constant 0 : index
      %get3A_106 = vector.load %arg10[%get3A_104, %get3A_105] : memref<2048x128xf32, #tpu.memory_space<vmem>>, vector<2048x128xf32>
      %lt3A_107 = arith.cmpf olt, %slice3A_103, %get3A_106 : vector<2048x128xf32>
      %mul3A_108 = arith.constant 16 : i32
      %mul3A_109 = arith.muli %arg1, %mul3A_108 : i32
      %add3A_110 = arith.constant 3 : i32
      %add3A_111 = arith.addi %mul3A_109, %add3A_110 : i32
      %get3A_112 = arith.constant 0 : index
      %get3A_113 = arith.constant 0 : index
      %get3A_114 = vector.load %arg11[%get3A_112, %get3A_113] : memref<2048x128xi32, #tpu.memory_space<vmem>>, vector<2048x128xi32>
      %broadcast_in_dim3A_115 = vector.broadcast %add3A_111 : i32 to vector<2048x128xi32>
      %select_n3A_116 = arith.select %lt3A_107, %broadcast_in_dim3A_115, %get3A_114 : vector<2048x128xi1>, vector<2048x128xi32>
      %swap3A_117 = arith.constant 0 : index
      %swap3A_118 = arith.constant 0 : index
      %swap3A_119 = vector.load %arg11[%swap3A_117, %swap3A_118] : memref<2048x128xi32, #tpu.memory_space<vmem>>, vector<2048x128xi32>
      tpu.vector_store %arg11[%swap3A_117, %swap3A_118], %select_n3A_116 {strides = array<i32>} : memref<2048x128xi32, #tpu.memory_space<vmem>>, vector<2048x128xi32>,
      %get3A_120 = arith.constant 0 : index
      %get3A_121 = arith.constant 0 : index
      %get3A_122 = vector.load %arg10[%get3A_120, %get3A_121] : memref<2048x128xf32, #tpu.memory_space<vmem>>, vector<2048x128xf32>
      %select_n3A_123 = arith.select %lt3A_107, %slice3A_103, %get3A_122 : vector<2048x128xi1>, vector<2048x128xf32>
      %swap3A_124 = arith.constant 0 : index
      %swap3A_125 = arith.constant 0 : index
      %swap3A_126 = vector.load %arg10[%swap3A_124, %swap3A_125] : memref<2048x128xf32, #tpu.memory_space<vmem>>, vector<2048x128xf32>
      tpu.vector_store %arg10[%swap3A_124, %swap3A_125], %select_n3A_123 {strides = array<i32>} : memref<2048x128xf32, #tpu.memory_space<vmem>>, vector<2048x128xf32>,
      %slice3A_127 = vector.extract_strided_slice %add3A_14 {offsets = [0, 512], sizes = [2048, 128], strides = [1, 1]} : vector<2048x2048xf32> to vector<2048x128xf32>
      %get3A_128 = arith.constant 0 : index
      %get3A_129 = arith.constant 0 : index
      %get3A_130 = vector.load %arg10[%get3A_128, %get3A_129] : memref<2048x128xf32, #tpu.memory_space<vmem>>, vector<2048x128xf32>
      %lt3A_131 = arith.cmpf olt, %slice3A_127, %get3A_130 : vector<2048x128xf32>
      %mul3A_132 = arith.constant 16 : i32
      %mul3A_133 = arith.muli %arg1, %mul3A_132 : i32
      %add3A_134 = arith.constant 4 : i32
      %add3A_135 = arith.addi %mul3A_133, %add3A_134 : i32
      %get3A_136 = arith.constant 0 : index
      %get3A_137 = arith.constant 0 : index
      %get3A_138 = vector.load %arg11[%get3A_136, %get3A_137] : memref<2048x128xi32, #tpu.memory_space<vmem>>, vector<2048x128xi32>
      %broadcast_in_dim3A_139 = vector.broadcast %add3A_135 : i32 to vector<2048x128xi32>
      %select_n3A_140 = arith.select %lt3A_131, %broadcast_in_dim3A_139, %get3A_138 : vector<2048x128xi1>, vector<2048x128xi32>
      %swap3A_141 = arith.constant 0 : index
      %swap3A_142 = arith.constant 0 : index
      %swap3A_143 = vector.load %arg11[%swap3A_141, %swap3A_142] : memref<2048x128xi32, #tpu.memory_space<vmem>>, vector<2048x128xi32>
      tpu.vector_store %arg11[%swap3A_141, %swap3A_142], %select_n3A_140 {strides = array<i32>} : memref<2048x128xi32, #tpu.memory_space<vmem>>, vector<2048x128xi32>,
      %get3A_144 = arith.constant 0 : index
      %get3A_145 = arith.constant 0 : index
      %get3A_146 = vector.load %arg10[%get3A_144, %get3A_145] : memref<2048x128xf32, #tpu.memory_space<vmem>>, vector<2048x128xf32>
      %select_n3A_147 = arith.select %lt3A_131, %slice3A_127, %get3A_146 : vector<2048x128xi1>, vector<2048x128xf32>
      %swap3A_148 = arith.constant 0 : index
      %swap3A_149 = arith.constant 0 : index
      %swap3A_150 = vector.load %arg10[%swap3A_148, %swap3A_149] : memref<2048x128xf32, #tpu.memory_space<vmem>>, vector<2048x128xf32>
      tpu.vector_store %arg10[%swap3A_148, %swap3A_149], %select_n3A_147 {strides = array<i32>} : memref<2048x128xf32, #tpu.memory_space<vmem>>, vector<2048x128xf32>,
      %slice3A_151 = vector.extract_strided_slice %add3A_14 {offsets = [0, 640], sizes = [2048, 128], strides = [1, 1]} : vector<2048x2048xf32> to vector<2048x128xf32>
      %get3A_152 = arith.constant 0 : index
      %get3A_153 = arith.constant 0 : index
      %get3A_154 = vector.load %arg10[%get3A_152, %get3A_153] : memref<2048x128xf32, #tpu.memory_space<vmem>>, vector<2048x128xf32>
      %lt3A_155 = arith.cmpf olt, %slice3A_151, %get3A_154 : vector<2048x128xf32>
      %mul3A_156 = arith.constant 16 : i32
      %mul3A_157 = arith.muli %arg1, %mul3A_156 : i32
      %add3A_158 = arith.constant 5 : i32
      %add3A_159 = arith.addi %mul3A_157, %add3A_158 : i32
      %get3A_160 = arith.constant 0 : index
      %get3A_161 = arith.constant 0 : index
      %get3A_162 = vector.load %arg11[%get3A_160, %get3A_161] : memref<2048x128xi32, #tpu.memory_space<vmem>>, vector<2048x128xi32>
      %broadcast_in_dim3A_163 = vector.broadcast %add3A_159 : i32 to vector<2048x128xi32>
      %select_n3A_164 = arith.select %lt3A_155, %broadcast_in_dim3A_163, %get3A_162 : vector<2048x128xi1>, vector<2048x128xi32>
      %swap3A_165 = arith.constant 0 : index
      %swap3A_166 = arith.constant 0 : index
      %swap3A_167 = vector.load %arg11[%swap3A_165, %swap3A_166] : memref<2048x128xi32, #tpu.memory_space<vmem>>, vector<2048x128xi32>
      tpu.vector_store %arg11[%swap3A_165, %swap3A_166], %select_n3A_164 {strides = array<i32>} : memref<2048x128xi32, #tpu.memory_space<vmem>>, vector<2048x128xi32>,
      %get3A_168 = arith.constant 0 : index
      %get3A_169 = arith.constant 0 : index
      %get3A_170 = vector.load %arg10[%get3A_168, %get3A_169] : memref<2048x128xf32, #tpu.memory_space<vmem>>, vector<2048x128xf32>
      %select_n3A_171 = arith.select %lt3A_155, %slice3A_151, %get3A_170 : vector<2048x128xi1>, vector<2048x128xf32>
      %swap3A_172 = arith.constant 0 : index
      %swap3A_173 = arith.constant 0 : index
      %swap3A_174 = vector.load %arg10[%swap3A_172, %swap3A_173] : memref<2048x128xf32, #tpu.memory_space<vmem>>, vector<2048x128xf32>
      tpu.vector_store %arg10[%swap3A_172, %swap3A_173], %select_n3A_171 {strides = array<i32>} : memref<2048x128xf32, #tpu.memory_space<vmem>>, vector<2048x128xf32>,
      %slice3A_175 = vector.extract_strided_slice %add3A_14 {offsets = [0, 768], sizes = [2048, 128], strides = [1, 1]} : vector<2048x2048xf32> to vector<2048x128xf32>
      %get3A_176 = arith.constant 0 : index
      %get3A_177 = arith.constant 0 : index
      %get3A_178 = vector.load %arg10[%get3A_176, %get3A_177] : memref<2048x128xf32, #tpu.memory_space<vmem>>, vector<2048x128xf32>
      %lt3A_179 = arith.cmpf olt, %slice3A_175, %get3A_178 : vector<2048x128xf32>
      %mul3A_180 = arith.constant 16 : i32
      %mul3A_181 = arith.muli %arg1, %mul3A_180 : i32
      %add3A_182 = arith.constant 6 : i32
      %add3A_183 = arith.addi %mul3A_181, %add3A_182 : i32
      %get3A_184 = arith.constant 0 : index
      %get3A_185 = arith.constant 0 : index
      %get3A_186 = vector.load %arg11[%get3A_184, %get3A_185] : memref<2048x128xi32, #tpu.memory_space<vmem>>, vector<2048x128xi32>
      %broadcast_in_dim3A_187 = vector.broadcast %add3A_183 : i32 to vector<2048x128xi32>
      %select_n3A_188 = arith.select %lt3A_179, %broadcast_in_dim3A_187, %get3A_186 : vector<2048x128xi1>, vector<2048x128xi32>
      %swap3A_189 = arith.constant 0 : index
      %swap3A_190 = arith.constant 0 : index
      %swap3A_191 = vector.load %arg11[%swap3A_189, %swap3A_190] : memref<2048x128xi32, #tpu.memory_space<vmem>>, vector<2048x128xi32>
      tpu.vector_store %arg11[%swap3A_189, %swap3A_190], %select_n3A_188 {strides = array<i32>} : memref<2048x128xi32, #tpu.memory_space<vmem>>, vector<2048x128xi32>,
      %get3A_192 = arith.constant 0 : index
      %get3A_193 = arith.constant 0 : index
      %get3A_194 = vector.load %arg10[%get3A_192, %get3A_193] : memref<2048x128xf32, #tpu.memory_space<vmem>>, vector<2048x128xf32>
      %select_n3A_195 = arith.select %lt3A_179, %slice3A_175, %get3A_194 : vector<2048x128xi1>, vector<2048x128xf32>
      %swap3A_196 = arith.constant 0 : index
      %swap3A_197 = arith.constant 0 : index
      %swap3A_198 = vector.load %arg10[%swap3A_196, %swap3A_197] : memref<2048x128xf32, #tpu.memory_space<vmem>>, vector<2048x128xf32>
      tpu.vector_store %arg10[%swap3A_196, %swap3A_197], %select_n3A_195 {strides = array<i32>} : memref<2048x128xf32, #tpu.memory_space<vmem>>, vector<2048x128xf32>,
      %slice3A_199 = vector.extract_strided_slice %add3A_14 {offsets = [0, 896], sizes = [2048, 128], strides = [1, 1]} : vector<2048x2048xf32> to vector<2048x128xf32>
      %get3A_200 = arith.constant 0 : index
      %get3A_201 = arith.constant 0 : index
      %get3A_202 = vector.load %arg10[%get3A_200, %get3A_201] : memref<2048x128xf32, #tpu.memory_space<vmem>>, vector<2048x128xf32>
      %lt3A_203 = arith.cmpf olt, %slice3A_199, %get3A_202 : vector<2048x128xf32>
      %mul3A_204 = arith.constant 16 : i32
      %mul3A_205 = arith.muli %arg1, %mul3A_204 : i32
      %add3A_206 = arith.constant 7 : i32
      %add3A_207 = arith.addi %mul3A_205, %add3A_206 : i32
      %get3A_208 = arith.constant 0 : index
      %get3A_209 = arith.constant 0 : index
      %get3A_210 = vector.load %arg11[%get3A_208, %get3A_209] : memref<2048x128xi32, #tpu.memory_space<vmem>>, vector<2048x128xi32>
      %broadcast_in_dim3A_211 = vector.broadcast %add3A_207 : i32 to vector<2048x128xi32>
      %select_n3A_212 = arith.select %lt3A_203, %broadcast_in_dim3A_211, %get3A_210 : vector<2048x128xi1>, vector<2048x128xi32>
      %swap3A_213 = arith.constant 0 : index
      %swap3A_214 = arith.constant 0 : index
      %swap3A_215 = vector.load %arg11[%swap3A_213, %swap3A_214] : memref<2048x128xi32, #tpu.memory_space<vmem>>, vector<2048x128xi32>
      tpu.vector_store %arg11[%swap3A_213, %swap3A_214], %select_n3A_212 {strides = array<i32>} : memref<2048x128xi32, #tpu.memory_space<vmem>>, vector<2048x128xi32>,
      %get3A_216 = arith.constant 0 : index
      %get3A_217 = arith.constant 0 : index
      %get3A_218 = vector.load %arg10[%get3A_216, %get3A_217] : memref<2048x128xf32, #tpu.memory_space<vmem>>, vector<2048x128xf32>
      %select_n3A_219 = arith.select %lt3A_203, %slice3A_199, %get3A_218 : vector<2048x128xi1>, vector<2048x128xf32>
      %swap3A_220 = arith.constant 0 : index
      %swap3A_221 = arith.constant 0 : index
      %swap3A_222 = vector.load %arg10[%swap3A_220, %swap3A_221] : memref<2048x128xf32, #tpu.memory_space<vmem>>, vector<2048x128xf32>
      tpu.vector_store %arg10[%swap3A_220, %swap3A_221], %select_n3A_219 {strides = array<i32>} : memref<2048x128xf32, #tpu.memory_space<vmem>>, vector<2048x128xf32>,
      %slice3A_223 = vector.extract_strided_slice %add3A_14 {offsets = [0, 1024], sizes = [2048, 128], strides = [1, 1]} : vector<2048x2048xf32> to vector<2048x128xf32>
      %get3A_224 = arith.constant 0 : index
      %get3A_225 = arith.constant 0 : index
      %get3A_226 = vector.load %arg10[%get3A_224, %get3A_225] : memref<2048x128xf32, #tpu.memory_space<vmem>>, vector<2048x128xf32>
      %lt3A_227 = arith.cmpf olt, %slice3A_223, %get3A_226 : vector<2048x128xf32>
      %mul3A_228 = arith.constant 16 : i32
      %mul3A_229 = arith.muli %arg1, %mul3A_228 : i32
      %add3A_230 = arith.constant 8 : i32
      %add3A_231 = arith.addi %mul3A_229, %add3A_230 : i32
      %get3A_232 = arith.constant 0 : index
      %get3A_233 = arith.constant 0 : index
      %get3A_234 = vector.load %arg11[%get3A_232, %get3A_233] : memref<2048x128xi32, #tpu.memory_space<vmem>>, vector<2048x128xi32>
      %broadcast_in_dim3A_235 = vector.broadcast %add3A_231 : i32 to vector<2048x128xi32>
      %select_n3A_236 = arith.select %lt3A_227, %broadcast_in_dim3A_235, %get3A_234 : vector<2048x128xi1>, vector<2048x128xi32>
      %swap3A_237 = arith.constant 0 : index
      %swap3A_238 = arith.constant 0 : index
      %swap3A_239 = vector.load %arg11[%swap3A_237, %swap3A_238] : memref<2048x128xi32, #tpu.memory_space<vmem>>, vector<2048x128xi32>
      tpu.vector_store %arg11[%swap3A_237, %swap3A_238], %select_n3A_236 {strides = array<i32>} : memref<2048x128xi32, #tpu.memory_space<vmem>>, vector<2048x128xi32>,
      %get3A_240 = arith.constant 0 : index
      %get3A_241 = arith.constant 0 : index
      %get3A_242 = vector.load %arg10[%get3A_240, %get3A_241] : memref<2048x128xf32, #tpu.memory_space<vmem>>, vector<2048x128xf32>
      %select_n3A_243 = arith.select %lt3A_227, %slice3A_223, %get3A_242 : vector<2048x128xi1>, vector<2048x128xf32>
      %swap3A_244 = arith.constant 0 : index
      %swap3A_245 = arith.constant 0 : index
      %swap3A_246 = vector.load %arg10[%swap3A_244, %swap3A_245] : memref<2048x128xf32, #tpu.memory_space<vmem>>, vector<2048x128xf32>
      tpu.vector_store %arg10[%swap3A_244, %swap3A_245], %select_n3A_243 {strides = array<i32>} : memref<2048x128xf32, #tpu.memory_space<vmem>>, vector<2048x128xf32>,
      %slice3A_247 = vector.extract_strided_slice %add3A_14 {offsets = [0, 1152], sizes = [2048, 128], strides = [1, 1]} : vector<2048x2048xf32> to vector<2048x128xf32>
      %get3A_248 = arith.constant 0 : index
      %get3A_249 = arith.constant 0 : index
      %get3A_250 = vector.load %arg10[%get3A_248, %get3A_249] : memref<2048x128xf32, #tpu.memory_space<vmem>>, vector<2048x128xf32>
      %lt3A_251 = arith.cmpf olt, %slice3A_247, %get3A_250 : vector<2048x128xf32>
      %mul3A_252 = arith.constant 16 : i32
      %mul3A_253 = arith.muli %arg1, %mul3A_252 : i32
      %add3A_254 = arith.constant 9 : i32
      %add3A_255 = arith.addi %mul3A_253, %add3A_254 : i32
      %get3A_256 = arith.constant 0 : index
      %get3A_257 = arith.constant 0 : index
      %get3A_258 = vector.load %arg11[%get3A_256, %get3A_257] : memref<2048x128xi32, #tpu.memory_space<vmem>>, vector<2048x128xi32>
      %broadcast_in_dim3A_259 = vector.broadcast %add3A_255 : i32 to vector<2048x128xi32>
      %select_n3A_260 = arith.select %lt3A_251, %broadcast_in_dim3A_259, %get3A_258 : vector<2048x128xi1>, vector<2048x128xi32>
      %swap3A_261 = arith.constant 0 : index
      %swap3A_262 = arith.constant 0 : index
      %swap3A_263 = vector.load %arg11[%swap3A_261, %swap3A_262] : memref<2048x128xi32, #tpu.memory_space<vmem>>, vector<2048x128xi32>
      tpu.vector_store %arg11[%swap3A_261, %swap3A_262], %select_n3A_260 {strides = array<i32>} : memref<2048x128xi32, #tpu.memory_space<vmem>>, vector<2048x128xi32>,
      %get3A_264 = arith.constant 0 : index
      %get3A_265 = arith.constant 0 : index
      %get3A_266 = vector.load %arg10[%get3A_264, %get3A_265] : memref<2048x128xf32, #tpu.memory_space<vmem>>, vector<2048x128xf32>
      %select_n3A_267 = arith.select %lt3A_251, %slice3A_247, %get3A_266 : vector<2048x128xi1>, vector<2048x128xf32>
      %swap3A_268 = arith.constant 0 : index
      %swap3A_269 = arith.constant 0 : index
      %swap3A_270 = vector.load %arg10[%swap3A_268, %swap3A_269] : memref<2048x128xf32, #tpu.memory_space<vmem>>, vector<2048x128xf32>
      tpu.vector_store %arg10[%swap3A_268, %swap3A_269], %select_n3A_267 {strides = array<i32>} : memref<2048x128xf32, #tpu.memory_space<vmem>>, vector<2048x128xf32>,
      %lt3A_271 = arith.constant 96 : i32
      %lt3A_272 = vector.broadcast %lt3A_271 : i32 to vector<2048x128xi32>
      %lt3A_273 = arith.cmpi slt, %iota3A, %lt3A_272 : vector<2048x128xi32>
      %slice3A_274 = vector.extract_strided_slice %add3A_14 {offsets = [0, 1280], sizes = [2048, 128], strides = [1, 1]} : vector<2048x2048xf32> to vector<2048x128xf32>
      %get3A_275 = arith.constant 0 : index
      %get3A_276 = arith.constant 0 : index
      %get3A_277 = vector.load %arg10[%get3A_275, %get3A_276] : memref<2048x128xf32, #tpu.memory_space<vmem>>, vector<2048x128xf32>
      %lt3A_278 = arith.cmpf olt, %slice3A_274, %get3A_277 : vector<2048x128xf32>
      %and3A = arith.andi %lt3A_278, %lt3A_273 : vector<2048x128xi1>
      %mul3A_279 = arith.constant 16 : i32
      %mul3A_280 = arith.muli %arg1, %mul3A_279 : i32
      %add3A_281 = arith.constant 10 : i32
      %add3A_282 = arith.addi %mul3A_280, %add3A_281 : i32
      %get3A_283 = arith.constant 0 : index
      %get3A_284 = arith.constant 0 : index
      %get3A_285 = vector.load %arg11[%get3A_283, %get3A_284] : memref<2048x128xi32, #tpu.memory_space<vmem>>, vector<2048x128xi32>
      %broadcast_in_dim3A_286 = vector.broadcast %add3A_282 : i32 to vector<2048x128xi32>
      %select_n3A_287 = arith.select %and3A, %broadcast_in_dim3A_286, %get3A_285 : vector<2048x128xi1>, vector<2048x128xi32>
      %swap3A_288 = arith.constant 0 : index
      %swap3A_289 = arith.constant 0 : index
      %swap3A_290 = vector.load %arg11[%swap3A_288, %swap3A_289] : memref<2048x128xi32, #tpu.memory_space<vmem>>, vector<2048x128xi32>
      tpu.vector_store %arg11[%swap3A_288, %swap3A_289], %select_n3A_287 {strides = array<i32>} : memref<2048x128xi32, #tpu.memory_space<vmem>>, vector<2048x128xi32>,
      %get3A_291 = arith.constant 0 : index
      %get3A_292 = arith.constant 0 : index
      %get3A_293 = vector.load %arg10[%get3A_291, %get3A_292] : memref<2048x128xf32, #tpu.memory_space<vmem>>, vector<2048x128xf32>
      %select_n3A_294 = arith.select %and3A, %slice3A_274, %get3A_293 : vector<2048x128xi1>, vector<2048x128xf32>
      %swap3A_295 = arith.constant 0 : index
      %swap3A_296 = arith.constant 0 : index
      %swap3A_297 = vector.load %arg10[%swap3A_295, %swap3A_296] : memref<2048x128xf32, #tpu.memory_space<vmem>>, vector<2048x128xf32>
      tpu.vector_store %arg10[%swap3A_295, %swap3A_296], %select_n3A_294 {strides = array<i32>} : memref<2048x128xf32, #tpu.memory_space<vmem>>, vector<2048x128xf32>,
      %get3A_298 = arith.constant 0 : index
      %get3A_299 = arith.constant 0 : index
      %get3A_300 = vector.load %arg10[%get3A_298, %get3A_299] : memref<2048x128xf32, #tpu.memory_space<vmem>>, vector<2048x128xf32>
      %reduce_min3A = arith.constant dense<0x7F800000> : vector<2048xf32>
      %reduce_min3A_301 = vector.multi_reduction <minimumf>, %get3A_300, %reduce_min3A [1] : vector<2048x128xf32> to vector<2048xf32>
      %broadcast_in_dim3A_302 = vector.shape_cast %reduce_min3A_301 : vector<2048xf32> to vector<2048x1xf32>
      %get3A_303 = arith.constant 0 : index
      %get3A_304 = arith.constant 0 : index
      %get3A_305 = vector.load %arg11[%get3A_303, %get3A_304] : memref<2048x128xi32, #tpu.memory_space<vmem>>, vector<2048x128xi32>
      %mul3A_306 = arith.constant 128 : i32
      %mul3A_307 = vector.broadcast %mul3A_306 : i32 to vector<2048x128xi32>
      %mul3A_308 = arith.muli %get3A_305, %mul3A_307 : vector<2048x128xi32>
      %add3A_309 = arith.addi %mul3A_308, %iota3A : vector<2048x128xi32>
      %get3A_310 = arith.constant 0 : index
      %get3A_311 = arith.constant 0 : index
      %get3A_312 = vector.load %arg10[%get3A_310, %get3A_311] : memref<2048x128xf32, #tpu.memory_space<vmem>>, vector<2048x128xf32>
      %eq3A_313 = vector.broadcast %broadcast_in_dim3A_302 : vector<2048x1xf32> to vector<2048x128xf32>
      %eq3A_314 = arith.cmpf oeq, %get3A_312, %eq3A_313 : vector<2048x128xf32>
      %jit3A = arith.constant 8192 : i32
      %broadcast_in_dim3A_315 = vector.broadcast %jit3A : i32 to vector<2048x128xi32>
      %select_n3A_316 = arith.select %eq3A_314, %add3A_309, %broadcast_in_dim3A_315 : vector<2048x128xi1>, vector<2048x128xi32>
      %reduce_min3A_317 = arith.constant dense<2147483647> : vector<2048xi32>
      %reduce_min3A_318 = vector.multi_reduction <minsi>, %select_n3A_316, %reduce_min3A_317 [1] : vector<2048x128xi32> to vector<2048xi32>
      %broadcast_in_dim3A_319 = vector.shape_cast %reduce_min3A_318 : vector<2048xi32> to vector<2048x1xi32>
      %get3A_320 = arith.constant 0 : index
      %get3A_321 = arith.constant 0 : index
      %get3A_322 = vector.load %arg8[%get3A_320, %get3A_321] : memref<2048x1xf32, #tpu.memory_space<vmem>>, vector<2048x1xf32>
      %convert_element_type3A_323 = arith.truncf %get3A_322 : vector<2048x1xf32> to vector<2048x1xbf16>
      %convert_element_type3A_324 = arith.extf %convert_element_type3A_323 : vector<2048x1xbf16> to vector<2048x1xf32>
      %swap3A_325 = arith.constant 0 : index
      %swap3A_326 = arith.constant 0 : index
      %swap3A_327 = vector.load %arg8[%swap3A_325, %swap3A_326] : memref<2048x1xf32, #tpu.memory_space<vmem>>, vector<2048x1xf32>
      tpu.vector_store %arg8[%swap3A_325, %swap3A_326], %convert_element_type3A_324 {strides = array<i32>} : memref<2048x1xf32, #tpu.memory_space<vmem>>, vector<2048x1xf32>,
      %get3A_328 = arith.constant 0 : index
      %get3A_329 = arith.constant 0 : index
      %get3A_330 = vector.load %arg8[%get3A_328, %get3A_329] : memref<2048x1xf32, #tpu.memory_space<vmem>>, vector<2048x1xf32>
      %lt3A_331 = arith.cmpf olt, %broadcast_in_dim3A_302, %get3A_330 : vector<2048x1xf32>
      %get3A_332 = arith.constant 0 : index
      %get3A_333 = arith.constant 0 : index
      %get3A_334 = vector.load %arg9[%get3A_332, %get3A_333] : memref<2048x1xi32, #tpu.memory_space<vmem>>, vector<2048x1xi32>
      %select_n3A_335 = arith.select %lt3A_331, %broadcast_in_dim3A_319, %get3A_334 : vector<2048x1xi1>, vector<2048x1xi32>
      %swap3A_336 = arith.constant 0 : index
      %swap3A_337 = arith.constant 0 : index
      %swap3A_338 = vector.load %arg9[%swap3A_336, %swap3A_337] : memref<2048x1xi32, #tpu.memory_space<vmem>>, vector<2048x1xi32>
      tpu.vector_store %arg9[%swap3A_336, %swap3A_337], %select_n3A_335 {strides = array<i32>} : memref<2048x1xi32, #tpu.memory_space<vmem>>, vector<2048x1xi32>,
      %get3A_339 = arith.constant 0 : index
      %get3A_340 = arith.constant 0 : index
      %get3A_341 = vector.load %arg8[%get3A_339, %get3A_340] : memref<2048x1xf32, #tpu.memory_space<vmem>>, vector<2048x1xf32>
      %select_n3A_342 = arith.select %lt3A_331, %broadcast_in_dim3A_302, %get3A_341 : vector<2048x1xi1>, vector<2048x1xf32>
      %swap3A_343 = arith.constant 0 : index
      %swap3A_344 = arith.constant 0 : index
      %swap3A_345 = vector.load %arg8[%swap3A_343, %swap3A_344] : memref<2048x1xf32, #tpu.memory_space<vmem>>, vector<2048x1xf32>
      tpu.vector_store %arg8[%swap3A_343, %swap3A_344], %select_n3A_342 {strides = array<i32>} : memref<2048x1xf32, #tpu.memory_space<vmem>>, vector<2048x1xf32>,
      %broadcast_in_dim3A_346 = arith.constant 0x7F800000 : f32
      %broadcast_in_dim3A_347 = vector.broadcast %broadcast_in_dim3A_346 : f32 to vector<2048x128xf32>
      %swap3A_348 = arith.constant 0 : index
      %swap3A_349 = arith.constant 0 : index
      %swap3A_350 = vector.load %arg10[%swap3A_348, %swap3A_349] : memref<2048x128xf32, #tpu.memory_space<vmem>>, vector<2048x128xf32>
      tpu.vector_store %arg10[%swap3A_348, %swap3A_349], %broadcast_in_dim3A_347 {strides = array<i32>} : memref<2048x128xf32, #tpu.memory_space<vmem>>, vector<2048x128xf32>,
      %broadcast_in_dim3A_351 = arith.constant 0 : i32
      %broadcast_in_dim3A_352 = vector.broadcast %broadcast_in_dim3A_351 : i32 to vector<2048x128xi32>
      %swap3A_353 = arith.constant 0 : index
      %swap3A_354 = arith.constant 0 : index
      %swap3A_355 = vector.load %arg11[%swap3A_353, %swap3A_354] : memref<2048x128xi32, #tpu.memory_space<vmem>>, vector<2048x128xi32>
      tpu.vector_store %arg11[%swap3A_353, %swap3A_354], %broadcast_in_dim3A_352 {strides = array<i32>} : memref<2048x128xi32, #tpu.memory_space<vmem>>, vector<2048x128xi32>,
      %ge3A = arith.constant 96 : i32
      %ge3A_356 = vector.broadcast %ge3A : i32 to vector<2048x128xi32>
      %ge3A_357 = arith.cmpi sge, %iota3A, %ge3A_356 : vector<2048x128xi32>
      %slice3A_358 = vector.extract_strided_slice %add3A_14 {offsets = [0, 1280], sizes = [2048, 128], strides = [1, 1]} : vector<2048x2048xf32> to vector<2048x128xf32>
      %get3A_359 = arith.constant 0 : index
      %get3A_360 = arith.constant 0 : index
      %get3A_361 = vector.load %arg10[%get3A_359, %get3A_360] : memref<2048x128xf32, #tpu.memory_space<vmem>>, vector<2048x128xf32>
      %lt3A_362 = arith.cmpf olt, %slice3A_358, %get3A_361 : vector<2048x128xf32>
      %and3A_363 = arith.andi %lt3A_362, %ge3A_357 : vector<2048x128xi1>
      %mul3A_364 = arith.constant 16 : i32
      %mul3A_365 = arith.muli %arg1, %mul3A_364 : i32
      %add3A_366 = arith.constant 10 : i32
      %add3A_367 = arith.addi %mul3A_365, %add3A_366 : i32
      %get3A_368 = arith.constant 0 : index
      %get3A_369 = arith.constant 0 : index
      %get3A_370 = vector.load %arg11[%get3A_368, %get3A_369] : memref<2048x128xi32, #tpu.memory_space<vmem>>, vector<2048x128xi32>
      %broadcast_in_dim3A_371 = vector.broadcast %add3A_367 : i32 to vector<2048x128xi32>
      %select_n3A_372 = arith.select %and3A_363, %broadcast_in_dim3A_371, %get3A_370 : vector<2048x128xi1>, vector<2048x128xi32>
      %swap3A_373 = arith.constant 0 : index
      %swap3A_374 = arith.constant 0 : index
      %swap3A_375 = vector.load %arg11[%swap3A_373, %swap3A_374] : memref<2048x128xi32, #tpu.memory_space<vmem>>, vector<2048x128xi32>
      tpu.vector_store %arg11[%swap3A_373, %swap3A_374], %select_n3A_372 {strides = array<i32>} : memref<2048x128xi32, #tpu.memory_space<vmem>>, vector<2048x128xi32>,
      %get3A_376 = arith.constant 0 : index
      %get3A_377 = arith.constant 0 : index
      %get3A_378 = vector.load %arg10[%get3A_376, %get3A_377] : memref<2048x128xf32, #tpu.memory_space<vmem>>, vector<2048x128xf32>
      %select_n3A_379 = arith.select %and3A_363, %slice3A_358, %get3A_378 : vector<2048x128xi1>, vector<2048x128xf32>
      %swap3A_380 = arith.constant 0 : index
      %swap3A_381 = arith.constant 0 : index
      %swap3A_382 = vector.load %arg10[%swap3A_380, %swap3A_381] : memref<2048x128xf32, #tpu.memory_space<vmem>>, vector<2048x128xf32>
      tpu.vector_store %arg10[%swap3A_380, %swap3A_381], %select_n3A_379 {strides = array<i32>} : memref<2048x128xf32, #tpu.memory_space<vmem>>, vector<2048x128xf32>,
      %slice3A_383 = vector.extract_strided_slice %add3A_14 {offsets = [0, 1408], sizes = [2048, 128], strides = [1, 1]} : vector<2048x2048xf32> to vector<2048x128xf32>
      %get3A_384 = arith.constant 0 : index
      %get3A_385 = arith.constant 0 : index
      %get3A_386 = vector.load %arg10[%get3A_384, %get3A_385] : memref<2048x128xf32, #tpu.memory_space<vmem>>, vector<2048x128xf32>
      %lt3A_387 = arith.cmpf olt, %slice3A_383, %get3A_386 : vector<2048x128xf32>
      %mul3A_388 = arith.constant 16 : i32
      %mul3A_389 = arith.muli %arg1, %mul3A_388 : i32
      %add3A_390 = arith.constant 11 : i32
      %add3A_391 = arith.addi %mul3A_389, %add3A_390 : i32
      %get3A_392 = arith.constant 0 : index
      %get3A_393 = arith.constant 0 : index
      %get3A_394 = vector.load %arg11[%get3A_392, %get3A_393] : memref<2048x128xi32, #tpu.memory_space<vmem>>, vector<2048x128xi32>
      %broadcast_in_dim3A_395 = vector.broadcast %add3A_391 : i32 to vector<2048x128xi32>
      %select_n3A_396 = arith.select %lt3A_387, %broadcast_in_dim3A_395, %get3A_394 : vector<2048x128xi1>, vector<2048x128xi32>
      %swap3A_397 = arith.constant 0 : index
      %swap3A_398 = arith.constant 0 : index
      %swap3A_399 = vector.load %arg11[%swap3A_397, %swap3A_398] : memref<2048x128xi32, #tpu.memory_space<vmem>>, vector<2048x128xi32>
      tpu.vector_store %arg11[%swap3A_397, %swap3A_398], %select_n3A_396 {strides = array<i32>} : memref<2048x128xi32, #tpu.memory_space<vmem>>, vector<2048x128xi32>,
      %get3A_400 = arith.constant 0 : index
      %get3A_401 = arith.constant 0 : index
      %get3A_402 = vector.load %arg10[%get3A_400, %get3A_401] : memref<2048x128xf32, #tpu.memory_space<vmem>>, vector<2048x128xf32>
      %select_n3A_403 = arith.select %lt3A_387, %slice3A_383, %get3A_402 : vector<2048x128xi1>, vector<2048x128xf32>
      %swap3A_404 = arith.constant 0 : index
      %swap3A_405 = arith.constant 0 : index
      %swap3A_406 = vector.load %arg10[%swap3A_404, %swap3A_405] : memref<2048x128xf32, #tpu.memory_space<vmem>>, vector<2048x128xf32>
      tpu.vector_store %arg10[%swap3A_404, %swap3A_405], %select_n3A_403 {strides = array<i32>} : memref<2048x128xf32, #tpu.memory_space<vmem>>, vector<2048x128xf32>,
      %slice3A_407 = vector.extract_strided_slice %add3A_14 {offsets = [0, 1536], sizes = [2048, 128], strides = [1, 1]} : vector<2048x2048xf32> to vector<2048x128xf32>
      %get3A_408 = arith.constant 0 : index
      %get3A_409 = arith.constant 0 : index
      %get3A_410 = vector.load %arg10[%get3A_408, %get3A_409] : memref<2048x128xf32, #tpu.memory_space<vmem>>, vector<2048x128xf32>
      %lt3A_411 = arith.cmpf olt, %slice3A_407, %get3A_410 : vector<2048x128xf32>
      %mul3A_412 = arith.constant 16 : i32
      %mul3A_413 = arith.muli %arg1, %mul3A_412 : i32
      %add3A_414 = arith.constant 12 : i32
      %add3A_415 = arith.addi %mul3A_413, %add3A_414 : i32
      %get3A_416 = arith.constant 0 : index
      %get3A_417 = arith.constant 0 : index
      %get3A_418 = vector.load %arg11[%get3A_416, %get3A_417] : memref<2048x128xi32, #tpu.memory_space<vmem>>, vector<2048x128xi32>
      %broadcast_in_dim3A_419 = vector.broadcast %add3A_415 : i32 to vector<2048x128xi32>
      %select_n3A_420 = arith.select %lt3A_411, %broadcast_in_dim3A_419, %get3A_418 : vector<2048x128xi1>, vector<2048x128xi32>
      %swap3A_421 = arith.constant 0 : index
      %swap3A_422 = arith.constant 0 : index
      %swap3A_423 = vector.load %arg11[%swap3A_421, %swap3A_422] : memref<2048x128xi32, #tpu.memory_space<vmem>>, vector<2048x128xi32>
      tpu.vector_store %arg11[%swap3A_421, %swap3A_422], %select_n3A_420 {strides = array<i32>} : memref<2048x128xi32, #tpu.memory_space<vmem>>, vector<2048x128xi32>,
      %get3A_424 = arith.constant 0 : index
      %get3A_425 = arith.constant 0 : index
      %get3A_426 = vector.load %arg10[%get3A_424, %get3A_425] : memref<2048x128xf32, #tpu.memory_space<vmem>>, vector<2048x128xf32>
      %select_n3A_427 = arith.select %lt3A_411, %slice3A_407, %get3A_426 : vector<2048x128xi1>, vector<2048x128xf32>
      %swap3A_428 = arith.constant 0 : index
      %swap3A_429 = arith.constant 0 : index
      %swap3A_430 = vector.load %arg10[%swap3A_428, %swap3A_429] : memref<2048x128xf32, #tpu.memory_space<vmem>>, vector<2048x128xf32>
      tpu.vector_store %arg10[%swap3A_428, %swap3A_429], %select_n3A_427 {strides = array<i32>} : memref<2048x128xf32, #tpu.memory_space<vmem>>, vector<2048x128xf32>,
      %slice3A_431 = vector.extract_strided_slice %add3A_14 {offsets = [0, 1664], sizes = [2048, 128], strides = [1, 1]} : vector<2048x2048xf32> to vector<2048x128xf32>
      %get3A_432 = arith.constant 0 : index
      %get3A_433 = arith.constant 0 : index
      %get3A_434 = vector.load %arg10[%get3A_432, %get3A_433] : memref<2048x128xf32, #tpu.memory_space<vmem>>, vector<2048x128xf32>
      %lt3A_435 = arith.cmpf olt, %slice3A_431, %get3A_434 : vector<2048x128xf32>
      %mul3A_436 = arith.constant 16 : i32
      %mul3A_437 = arith.muli %arg1, %mul3A_436 : i32
      %add3A_438 = arith.constant 13 : i32
      %add3A_439 = arith.addi %mul3A_437, %add3A_438 : i32
      %get3A_440 = arith.constant 0 : index
      %get3A_441 = arith.constant 0 : index
      %get3A_442 = vector.load %arg11[%get3A_440, %get3A_441] : memref<2048x128xi32, #tpu.memory_space<vmem>>, vector<2048x128xi32>
      %broadcast_in_dim3A_443 = vector.broadcast %add3A_439 : i32 to vector<2048x128xi32>
      %select_n3A_444 = arith.select %lt3A_435, %broadcast_in_dim3A_443, %get3A_442 : vector<2048x128xi1>, vector<2048x128xi32>
      %swap3A_445 = arith.constant 0 : index
      %swap3A_446 = arith.constant 0 : index
      %swap3A_447 = vector.load %arg11[%swap3A_445, %swap3A_446] : memref<2048x128xi32, #tpu.memory_space<vmem>>, vector<2048x128xi32>
      tpu.vector_store %arg11[%swap3A_445, %swap3A_446], %select_n3A_444 {strides = array<i32>} : memref<2048x128xi32, #tpu.memory_space<vmem>>, vector<2048x128xi32>,
      %get3A_448 = arith.constant 0 : index
      %get3A_449 = arith.constant 0 : index
      %get3A_450 = vector.load %arg10[%get3A_448, %get3A_449] : memref<2048x128xf32, #tpu.memory_space<vmem>>, vector<2048x128xf32>
      %select_n3A_451 = arith.select %lt3A_435, %slice3A_431, %get3A_450 : vector<2048x128xi1>, vector<2048x128xf32>
      %swap3A_452 = arith.constant 0 : index
      %swap3A_453 = arith.constant 0 : index
      %swap3A_454 = vector.load %arg10[%swap3A_452, %swap3A_453] : memref<2048x128xf32, #tpu.memory_space<vmem>>, vector<2048x128xf32>
      tpu.vector_store %arg10[%swap3A_452, %swap3A_453], %select_n3A_451 {strides = array<i32>} : memref<2048x128xf32, #tpu.memory_space<vmem>>, vector<2048x128xf32>,
      %slice3A_455 = vector.extract_strided_slice %add3A_14 {offsets = [0, 1792], sizes = [2048, 128], strides = [1, 1]} : vector<2048x2048xf32> to vector<2048x128xf32>
      %get3A_456 = arith.constant 0 : index
      %get3A_457 = arith.constant 0 : index
      %get3A_458 = vector.load %arg10[%get3A_456, %get3A_457] : memref<2048x128xf32, #tpu.memory_space<vmem>>, vector<2048x128xf32>
      %lt3A_459 = arith.cmpf olt, %slice3A_455, %get3A_458 : vector<2048x128xf32>
      %mul3A_460 = arith.constant 16 : i32
      %mul3A_461 = arith.muli %arg1, %mul3A_460 : i32
      %add3A_462 = arith.constant 14 : i32
      %add3A_463 = arith.addi %mul3A_461, %add3A_462 : i32
      %get3A_464 = arith.constant 0 : index
      %get3A_465 = arith.constant 0 : index
      %get3A_466 = vector.load %arg11[%get3A_464, %get3A_465] : memref<2048x128xi32, #tpu.memory_space<vmem>>, vector<2048x128xi32>
      %broadcast_in_dim3A_467 = vector.broadcast %add3A_463 : i32 to vector<2048x128xi32>
      %select_n3A_468 = arith.select %lt3A_459, %broadcast_in_dim3A_467, %get3A_466 : vector<2048x128xi1>, vector<2048x128xi32>
      %swap3A_469 = arith.constant 0 : index
      %swap3A_470 = arith.constant 0 : index
      %swap3A_471 = vector.load %arg11[%swap3A_469, %swap3A_470] : memref<2048x128xi32, #tpu.memory_space<vmem>>, vector<2048x128xi32>
      tpu.vector_store %arg11[%swap3A_469, %swap3A_470], %select_n3A_468 {strides = array<i32>} : memref<2048x128xi32, #tpu.memory_space<vmem>>, vector<2048x128xi32>,
      %get3A_472 = arith.constant 0 : index
      %get3A_473 = arith.constant 0 : index
      %get3A_474 = vector.load %arg10[%get3A_472, %get3A_473] : memref<2048x128xf32, #tpu.memory_space<vmem>>, vector<2048x128xf32>
      %select_n3A_475 = arith.select %lt3A_459, %slice3A_455, %get3A_474 : vector<2048x128xi1>, vector<2048x128xf32>
      %swap3A_476 = arith.constant 0 : index
      %swap3A_477 = arith.constant 0 : index
      %swap3A_478 = vector.load %arg10[%swap3A_476, %swap3A_477] : memref<2048x128xf32, #tpu.memory_space<vmem>>, vector<2048x128xf32>
      tpu.vector_store %arg10[%swap3A_476, %swap3A_477], %select_n3A_475 {strides = array<i32>} : memref<2048x128xf32, #tpu.memory_space<vmem>>, vector<2048x128xf32>,
      %slice3A_479 = vector.extract_strided_slice %add3A_14 {offsets = [0, 1920], sizes = [2048, 128], strides = [1, 1]} : vector<2048x2048xf32> to vector<2048x128xf32>
      %get3A_480 = arith.constant 0 : index
      %get3A_481 = arith.constant 0 : index
      %get3A_482 = vector.load %arg10[%get3A_480, %get3A_481] : memref<2048x128xf32, #tpu.memory_space<vmem>>, vector<2048x128xf32>
      %lt3A_483 = arith.cmpf olt, %slice3A_479, %get3A_482 : vector<2048x128xf32>
      %mul3A_484 = arith.constant 16 : i32
      %mul3A_485 = arith.muli %arg1, %mul3A_484 : i32
      %add3A_486 = arith.constant 15 : i32
      %add3A_487 = arith.addi %mul3A_485, %add3A_486 : i32
      %get3A_488 = arith.constant 0 : index
      %get3A_489 = arith.constant 0 : index
      %get3A_490 = vector.load %arg11[%get3A_488, %get3A_489] : memref<2048x128xi32, #tpu.memory_space<vmem>>, vector<2048x128xi32>
      %broadcast_in_dim3A_491 = vector.broadcast %add3A_487 : i32 to vector<2048x128xi32>
      %select_n3A_492 = arith.select %lt3A_483, %broadcast_in_dim3A_491, %get3A_490 : vector<2048x128xi1>, vector<2048x128xi32>
      %swap3A_493 = arith.constant 0 : index
      %swap3A_494 = arith.constant 0 : index
      %swap3A_495 = vector.load %arg11[%swap3A_493, %swap3A_494] : memref<2048x128xi32, #tpu.memory_space<vmem>>, vector<2048x128xi32>
      tpu.vector_store %arg11[%swap3A_493, %swap3A_494], %select_n3A_492 {strides = array<i32>} : memref<2048x128xi32, #tpu.memory_space<vmem>>, vector<2048x128xi32>,
      %get3A_496 = arith.constant 0 : index
      %get3A_497 = arith.constant 0 : index
      %get3A_498 = vector.load %arg10[%get3A_496, %get3A_497] : memref<2048x128xf32, #tpu.memory_space<vmem>>, vector<2048x128xf32>
      %select_n3A_499 = arith.select %lt3A_483, %slice3A_479, %get3A_498 : vector<2048x128xi1>, vector<2048x128xf32>
      %swap3A_500 = arith.constant 0 : index
      %swap3A_501 = arith.constant 0 : index
      %swap3A_502 = vector.load %arg10[%swap3A_500, %swap3A_501] : memref<2048x128xf32, #tpu.memory_space<vmem>>, vector<2048x128xf32>
      tpu.vector_store %arg10[%swap3A_500, %swap3A_501], %select_n3A_499 {strides = array<i32>} : memref<2048x128xf32, #tpu.memory_space<vmem>>, vector<2048x128xf32>,
    } else {
    }
    %eq3A_32 = arith.constant 3 : i32
    %eq3A_33 = arith.cmpi eq, %arg1, %eq3A_32 : i32
    %convert_element_type3A_34 = arith.extui %eq3A_33 : i1 to i32
    %cond3A_35 = arith.constant 0 : i32
    %cond3A_36 = arith.cmpi ne, %convert_element_type3A_34, %cond3A_35 : i32
    scf.if %cond3A_36 {
      %slice3A = vector.extract_strided_slice %add3A_14 {offsets = [0, 0], sizes = [2048, 128], strides = [1, 1]} : vector<2048x2048xf32> to vector<2048x128xf32>
      %get3A_37 = arith.constant 0 : index
      %get3A_38 = arith.constant 0 : index
      %get3A_39 = vector.load %arg10[%get3A_37, %get3A_38] : memref<2048x128xf32, #tpu.memory_space<vmem>>, vector<2048x128xf32>
      %lt3A = arith.cmpf olt, %slice3A, %get3A_39 : vector<2048x128xf32>
      %mul3A = arith.constant 16 : i32
      %mul3A_40 = arith.muli %arg1, %mul3A : i32
      %add3A_41 = arith.constant 0 : i32
      %add3A_42 = arith.addi %mul3A_40, %add3A_41 : i32
      %get3A_43 = arith.constant 0 : index
      %get3A_44 = arith.constant 0 : index
      %get3A_45 = vector.load %arg11[%get3A_43, %get3A_44] : memref<2048x128xi32, #tpu.memory_space<vmem>>, vector<2048x128xi32>
      %broadcast_in_dim3A = vector.broadcast %add3A_42 : i32 to vector<2048x128xi32>
      %select_n3A = arith.select %lt3A, %broadcast_in_dim3A, %get3A_45 : vector<2048x128xi1>, vector<2048x128xi32>
      %swap3A = arith.constant 0 : index
      %swap3A_46 = arith.constant 0 : index
      %swap3A_47 = vector.load %arg11[%swap3A, %swap3A_46] : memref<2048x128xi32, #tpu.memory_space<vmem>>, vector<2048x128xi32>
      tpu.vector_store %arg11[%swap3A, %swap3A_46], %select_n3A {strides = array<i32>} : memref<2048x128xi32, #tpu.memory_space<vmem>>, vector<2048x128xi32>,
      %get3A_48 = arith.constant 0 : index
      %get3A_49 = arith.constant 0 : index
      %get3A_50 = vector.load %arg10[%get3A_48, %get3A_49] : memref<2048x128xf32, #tpu.memory_space<vmem>>, vector<2048x128xf32>
      %select_n3A_51 = arith.select %lt3A, %slice3A, %get3A_50 : vector<2048x128xi1>, vector<2048x128xf32>
      %swap3A_52 = arith.constant 0 : index
      %swap3A_53 = arith.constant 0 : index
      %swap3A_54 = vector.load %arg10[%swap3A_52, %swap3A_53] : memref<2048x128xf32, #tpu.memory_space<vmem>>, vector<2048x128xf32>
      tpu.vector_store %arg10[%swap3A_52, %swap3A_53], %select_n3A_51 {strides = array<i32>} : memref<2048x128xf32, #tpu.memory_space<vmem>>, vector<2048x128xf32>,
      %slice3A_55 = vector.extract_strided_slice %add3A_14 {offsets = [0, 128], sizes = [2048, 128], strides = [1, 1]} : vector<2048x2048xf32> to vector<2048x128xf32>
      %get3A_56 = arith.constant 0 : index
      %get3A_57 = arith.constant 0 : index
      %get3A_58 = vector.load %arg10[%get3A_56, %get3A_57] : memref<2048x128xf32, #tpu.memory_space<vmem>>, vector<2048x128xf32>
      %lt3A_59 = arith.cmpf olt, %slice3A_55, %get3A_58 : vector<2048x128xf32>
      %mul3A_60 = arith.constant 16 : i32
      %mul3A_61 = arith.muli %arg1, %mul3A_60 : i32
      %add3A_62 = arith.constant 1 : i32
      %add3A_63 = arith.addi %mul3A_61, %add3A_62 : i32
      %get3A_64 = arith.constant 0 : index
      %get3A_65 = arith.constant 0 : index
      %get3A_66 = vector.load %arg11[%get3A_64, %get3A_65] : memref<2048x128xi32, #tpu.memory_space<vmem>>, vector<2048x128xi32>
      %broadcast_in_dim3A_67 = vector.broadcast %add3A_63 : i32 to vector<2048x128xi32>
      %select_n3A_68 = arith.select %lt3A_59, %broadcast_in_dim3A_67, %get3A_66 : vector<2048x128xi1>, vector<2048x128xi32>
      %swap3A_69 = arith.constant 0 : index
      %swap3A_70 = arith.constant 0 : index
      %swap3A_71 = vector.load %arg11[%swap3A_69, %swap3A_70] : memref<2048x128xi32, #tpu.memory_space<vmem>>, vector<2048x128xi32>
      tpu.vector_store %arg11[%swap3A_69, %swap3A_70], %select_n3A_68 {strides = array<i32>} : memref<2048x128xi32, #tpu.memory_space<vmem>>, vector<2048x128xi32>,
      %get3A_72 = arith.constant 0 : index
      %get3A_73 = arith.constant 0 : index
      %get3A_74 = vector.load %arg10[%get3A_72, %get3A_73] : memref<2048x128xf32, #tpu.memory_space<vmem>>, vector<2048x128xf32>
      %select_n3A_75 = arith.select %lt3A_59, %slice3A_55, %get3A_74 : vector<2048x128xi1>, vector<2048x128xf32>
      %swap3A_76 = arith.constant 0 : index
      %swap3A_77 = arith.constant 0 : index
      %swap3A_78 = vector.load %arg10[%swap3A_76, %swap3A_77] : memref<2048x128xf32, #tpu.memory_space<vmem>>, vector<2048x128xf32>
      tpu.vector_store %arg10[%swap3A_76, %swap3A_77], %select_n3A_75 {strides = array<i32>} : memref<2048x128xf32, #tpu.memory_space<vmem>>, vector<2048x128xf32>,
      %slice3A_79 = vector.extract_strided_slice %add3A_14 {offsets = [0, 256], sizes = [2048, 128], strides = [1, 1]} : vector<2048x2048xf32> to vector<2048x128xf32>
      %get3A_80 = arith.constant 0 : index
      %get3A_81 = arith.constant 0 : index
      %get3A_82 = vector.load %arg10[%get3A_80, %get3A_81] : memref<2048x128xf32, #tpu.memory_space<vmem>>, vector<2048x128xf32>
      %lt3A_83 = arith.cmpf olt, %slice3A_79, %get3A_82 : vector<2048x128xf32>
      %mul3A_84 = arith.constant 16 : i32
      %mul3A_85 = arith.muli %arg1, %mul3A_84 : i32
      %add3A_86 = arith.constant 2 : i32
      %add3A_87 = arith.addi %mul3A_85, %add3A_86 : i32
      %get3A_88 = arith.constant 0 : index
      %get3A_89 = arith.constant 0 : index
      %get3A_90 = vector.load %arg11[%get3A_88, %get3A_89] : memref<2048x128xi32, #tpu.memory_space<vmem>>, vector<2048x128xi32>
      %broadcast_in_dim3A_91 = vector.broadcast %add3A_87 : i32 to vector<2048x128xi32>
      %select_n3A_92 = arith.select %lt3A_83, %broadcast_in_dim3A_91, %get3A_90 : vector<2048x128xi1>, vector<2048x128xi32>
      %swap3A_93 = arith.constant 0 : index
      %swap3A_94 = arith.constant 0 : index
      %swap3A_95 = vector.load %arg11[%swap3A_93, %swap3A_94] : memref<2048x128xi32, #tpu.memory_space<vmem>>, vector<2048x128xi32>
      tpu.vector_store %arg11[%swap3A_93, %swap3A_94], %select_n3A_92 {strides = array<i32>} : memref<2048x128xi32, #tpu.memory_space<vmem>>, vector<2048x128xi32>,
      %get3A_96 = arith.constant 0 : index
      %get3A_97 = arith.constant 0 : index
      %get3A_98 = vector.load %arg10[%get3A_96, %get3A_97] : memref<2048x128xf32, #tpu.memory_space<vmem>>, vector<2048x128xf32>
      %select_n3A_99 = arith.select %lt3A_83, %slice3A_79, %get3A_98 : vector<2048x128xi1>, vector<2048x128xf32>
      %swap3A_100 = arith.constant 0 : index
      %swap3A_101 = arith.constant 0 : index
      %swap3A_102 = vector.load %arg10[%swap3A_100, %swap3A_101] : memref<2048x128xf32, #tpu.memory_space<vmem>>, vector<2048x128xf32>
      tpu.vector_store %arg10[%swap3A_100, %swap3A_101], %select_n3A_99 {strides = array<i32>} : memref<2048x128xf32, #tpu.memory_space<vmem>>, vector<2048x128xf32>,
      %slice3A_103 = vector.extract_strided_slice %add3A_14 {offsets = [0, 384], sizes = [2048, 128], strides = [1, 1]} : vector<2048x2048xf32> to vector<2048x128xf32>
      %get3A_104 = arith.constant 0 : index
      %get3A_105 = arith.constant 0 : index
      %get3A_106 = vector.load %arg10[%get3A_104, %get3A_105] : memref<2048x128xf32, #tpu.memory_space<vmem>>, vector<2048x128xf32>
      %lt3A_107 = arith.cmpf olt, %slice3A_103, %get3A_106 : vector<2048x128xf32>
      %mul3A_108 = arith.constant 16 : i32
      %mul3A_109 = arith.muli %arg1, %mul3A_108 : i32
      %add3A_110 = arith.constant 3 : i32
      %add3A_111 = arith.addi %mul3A_109, %add3A_110 : i32
      %get3A_112 = arith.constant 0 : index
      %get3A_113 = arith.constant 0 : index
      %get3A_114 = vector.load %arg11[%get3A_112, %get3A_113] : memref<2048x128xi32, #tpu.memory_space<vmem>>, vector<2048x128xi32>
      %broadcast_in_dim3A_115 = vector.broadcast %add3A_111 : i32 to vector<2048x128xi32>
      %select_n3A_116 = arith.select %lt3A_107, %broadcast_in_dim3A_115, %get3A_114 : vector<2048x128xi1>, vector<2048x128xi32>
      %swap3A_117 = arith.constant 0 : index
      %swap3A_118 = arith.constant 0 : index
      %swap3A_119 = vector.load %arg11[%swap3A_117, %swap3A_118] : memref<2048x128xi32, #tpu.memory_space<vmem>>, vector<2048x128xi32>
      tpu.vector_store %arg11[%swap3A_117, %swap3A_118], %select_n3A_116 {strides = array<i32>} : memref<2048x128xi32, #tpu.memory_space<vmem>>, vector<2048x128xi32>,
      %get3A_120 = arith.constant 0 : index
      %get3A_121 = arith.constant 0 : index
      %get3A_122 = vector.load %arg10[%get3A_120, %get3A_121] : memref<2048x128xf32, #tpu.memory_space<vmem>>, vector<2048x128xf32>
      %select_n3A_123 = arith.select %lt3A_107, %slice3A_103, %get3A_122 : vector<2048x128xi1>, vector<2048x128xf32>
      %swap3A_124 = arith.constant 0 : index
      %swap3A_125 = arith.constant 0 : index
      %swap3A_126 = vector.load %arg10[%swap3A_124, %swap3A_125] : memref<2048x128xf32, #tpu.memory_space<vmem>>, vector<2048x128xf32>
      tpu.vector_store %arg10[%swap3A_124, %swap3A_125], %select_n3A_123 {strides = array<i32>} : memref<2048x128xf32, #tpu.memory_space<vmem>>, vector<2048x128xf32>,
      %slice3A_127 = vector.extract_strided_slice %add3A_14 {offsets = [0, 512], sizes = [2048, 128], strides = [1, 1]} : vector<2048x2048xf32> to vector<2048x128xf32>
      %get3A_128 = arith.constant 0 : index
      %get3A_129 = arith.constant 0 : index
      %get3A_130 = vector.load %arg10[%get3A_128, %get3A_129] : memref<2048x128xf32, #tpu.memory_space<vmem>>, vector<2048x128xf32>
      %lt3A_131 = arith.cmpf olt, %slice3A_127, %get3A_130 : vector<2048x128xf32>
      %mul3A_132 = arith.constant 16 : i32
      %mul3A_133 = arith.muli %arg1, %mul3A_132 : i32
      %add3A_134 = arith.constant 4 : i32
      %add3A_135 = arith.addi %mul3A_133, %add3A_134 : i32
      %get3A_136 = arith.constant 0 : index
      %get3A_137 = arith.constant 0 : index
      %get3A_138 = vector.load %arg11[%get3A_136, %get3A_137] : memref<2048x128xi32, #tpu.memory_space<vmem>>, vector<2048x128xi32>
      %broadcast_in_dim3A_139 = vector.broadcast %add3A_135 : i32 to vector<2048x128xi32>
      %select_n3A_140 = arith.select %lt3A_131, %broadcast_in_dim3A_139, %get3A_138 : vector<2048x128xi1>, vector<2048x128xi32>
      %swap3A_141 = arith.constant 0 : index
      %swap3A_142 = arith.constant 0 : index
      %swap3A_143 = vector.load %arg11[%swap3A_141, %swap3A_142] : memref<2048x128xi32, #tpu.memory_space<vmem>>, vector<2048x128xi32>
      tpu.vector_store %arg11[%swap3A_141, %swap3A_142], %select_n3A_140 {strides = array<i32>} : memref<2048x128xi32, #tpu.memory_space<vmem>>, vector<2048x128xi32>,
      %get3A_144 = arith.constant 0 : index
      %get3A_145 = arith.constant 0 : index
      %get3A_146 = vector.load %arg10[%get3A_144, %get3A_145] : memref<2048x128xf32, #tpu.memory_space<vmem>>, vector<2048x128xf32>
      %select_n3A_147 = arith.select %lt3A_131, %slice3A_127, %get3A_146 : vector<2048x128xi1>, vector<2048x128xf32>
      %swap3A_148 = arith.constant 0 : index
      %swap3A_149 = arith.constant 0 : index
      %swap3A_150 = vector.load %arg10[%swap3A_148, %swap3A_149] : memref<2048x128xf32, #tpu.memory_space<vmem>>, vector<2048x128xf32>
      tpu.vector_store %arg10[%swap3A_148, %swap3A_149], %select_n3A_147 {strides = array<i32>} : memref<2048x128xf32, #tpu.memory_space<vmem>>, vector<2048x128xf32>,
      %slice3A_151 = vector.extract_strided_slice %add3A_14 {offsets = [0, 640], sizes = [2048, 128], strides = [1, 1]} : vector<2048x2048xf32> to vector<2048x128xf32>
      %get3A_152 = arith.constant 0 : index
      %get3A_153 = arith.constant 0 : index
      %get3A_154 = vector.load %arg10[%get3A_152, %get3A_153] : memref<2048x128xf32, #tpu.memory_space<vmem>>, vector<2048x128xf32>
      %lt3A_155 = arith.cmpf olt, %slice3A_151, %get3A_154 : vector<2048x128xf32>
      %mul3A_156 = arith.constant 16 : i32
      %mul3A_157 = arith.muli %arg1, %mul3A_156 : i32
      %add3A_158 = arith.constant 5 : i32
      %add3A_159 = arith.addi %mul3A_157, %add3A_158 : i32
      %get3A_160 = arith.constant 0 : index
      %get3A_161 = arith.constant 0 : index
      %get3A_162 = vector.load %arg11[%get3A_160, %get3A_161] : memref<2048x128xi32, #tpu.memory_space<vmem>>, vector<2048x128xi32>
      %broadcast_in_dim3A_163 = vector.broadcast %add3A_159 : i32 to vector<2048x128xi32>
      %select_n3A_164 = arith.select %lt3A_155, %broadcast_in_dim3A_163, %get3A_162 : vector<2048x128xi1>, vector<2048x128xi32>
      %swap3A_165 = arith.constant 0 : index
      %swap3A_166 = arith.constant 0 : index
      %swap3A_167 = vector.load %arg11[%swap3A_165, %swap3A_166] : memref<2048x128xi32, #tpu.memory_space<vmem>>, vector<2048x128xi32>
      tpu.vector_store %arg11[%swap3A_165, %swap3A_166], %select_n3A_164 {strides = array<i32>} : memref<2048x128xi32, #tpu.memory_space<vmem>>, vector<2048x128xi32>,
      %get3A_168 = arith.constant 0 : index
      %get3A_169 = arith.constant 0 : index
      %get3A_170 = vector.load %arg10[%get3A_168, %get3A_169] : memref<2048x128xf32, #tpu.memory_space<vmem>>, vector<2048x128xf32>
      %select_n3A_171 = arith.select %lt3A_155, %slice3A_151, %get3A_170 : vector<2048x128xi1>, vector<2048x128xf32>
      %swap3A_172 = arith.constant 0 : index
      %swap3A_173 = arith.constant 0 : index
      %swap3A_174 = vector.load %arg10[%swap3A_172, %swap3A_173] : memref<2048x128xf32, #tpu.memory_space<vmem>>, vector<2048x128xf32>
      tpu.vector_store %arg10[%swap3A_172, %swap3A_173], %select_n3A_171 {strides = array<i32>} : memref<2048x128xf32, #tpu.memory_space<vmem>>, vector<2048x128xf32>,
      %slice3A_175 = vector.extract_strided_slice %add3A_14 {offsets = [0, 768], sizes = [2048, 128], strides = [1, 1]} : vector<2048x2048xf32> to vector<2048x128xf32>
      %get3A_176 = arith.constant 0 : index
      %get3A_177 = arith.constant 0 : index
      %get3A_178 = vector.load %arg10[%get3A_176, %get3A_177] : memref<2048x128xf32, #tpu.memory_space<vmem>>, vector<2048x128xf32>
      %lt3A_179 = arith.cmpf olt, %slice3A_175, %get3A_178 : vector<2048x128xf32>
      %mul3A_180 = arith.constant 16 : i32
      %mul3A_181 = arith.muli %arg1, %mul3A_180 : i32
      %add3A_182 = arith.constant 6 : i32
      %add3A_183 = arith.addi %mul3A_181, %add3A_182 : i32
      %get3A_184 = arith.constant 0 : index
      %get3A_185 = arith.constant 0 : index
      %get3A_186 = vector.load %arg11[%get3A_184, %get3A_185] : memref<2048x128xi32, #tpu.memory_space<vmem>>, vector<2048x128xi32>
      %broadcast_in_dim3A_187 = vector.broadcast %add3A_183 : i32 to vector<2048x128xi32>
      %select_n3A_188 = arith.select %lt3A_179, %broadcast_in_dim3A_187, %get3A_186 : vector<2048x128xi1>, vector<2048x128xi32>
      %swap3A_189 = arith.constant 0 : index
      %swap3A_190 = arith.constant 0 : index
      %swap3A_191 = vector.load %arg11[%swap3A_189, %swap3A_190] : memref<2048x128xi32, #tpu.memory_space<vmem>>, vector<2048x128xi32>
      tpu.vector_store %arg11[%swap3A_189, %swap3A_190], %select_n3A_188 {strides = array<i32>} : memref<2048x128xi32, #tpu.memory_space<vmem>>, vector<2048x128xi32>,
      %get3A_192 = arith.constant 0 : index
      %get3A_193 = arith.constant 0 : index
      %get3A_194 = vector.load %arg10[%get3A_192, %get3A_193] : memref<2048x128xf32, #tpu.memory_space<vmem>>, vector<2048x128xf32>
      %select_n3A_195 = arith.select %lt3A_179, %slice3A_175, %get3A_194 : vector<2048x128xi1>, vector<2048x128xf32>
      %swap3A_196 = arith.constant 0 : index
      %swap3A_197 = arith.constant 0 : index
      %swap3A_198 = vector.load %arg10[%swap3A_196, %swap3A_197] : memref<2048x128xf32, #tpu.memory_space<vmem>>, vector<2048x128xf32>
      tpu.vector_store %arg10[%swap3A_196, %swap3A_197], %select_n3A_195 {strides = array<i32>} : memref<2048x128xf32, #tpu.memory_space<vmem>>, vector<2048x128xf32>,
      %slice3A_199 = vector.extract_strided_slice %add3A_14 {offsets = [0, 896], sizes = [2048, 128], strides = [1, 1]} : vector<2048x2048xf32> to vector<2048x128xf32>
      %get3A_200 = arith.constant 0 : index
      %get3A_201 = arith.constant 0 : index
      %get3A_202 = vector.load %arg10[%get3A_200, %get3A_201] : memref<2048x128xf32, #tpu.memory_space<vmem>>, vector<2048x128xf32>
      %lt3A_203 = arith.cmpf olt, %slice3A_199, %get3A_202 : vector<2048x128xf32>
      %mul3A_204 = arith.constant 16 : i32
      %mul3A_205 = arith.muli %arg1, %mul3A_204 : i32
      %add3A_206 = arith.constant 7 : i32
      %add3A_207 = arith.addi %mul3A_205, %add3A_206 : i32
      %get3A_208 = arith.constant 0 : index
      %get3A_209 = arith.constant 0 : index
      %get3A_210 = vector.load %arg11[%get3A_208, %get3A_209] : memref<2048x128xi32, #tpu.memory_space<vmem>>, vector<2048x128xi32>
      %broadcast_in_dim3A_211 = vector.broadcast %add3A_207 : i32 to vector<2048x128xi32>
      %select_n3A_212 = arith.select %lt3A_203, %broadcast_in_dim3A_211, %get3A_210 : vector<2048x128xi1>, vector<2048x128xi32>
      %swap3A_213 = arith.constant 0 : index
      %swap3A_214 = arith.constant 0 : index
      %swap3A_215 = vector.load %arg11[%swap3A_213, %swap3A_214] : memref<2048x128xi32, #tpu.memory_space<vmem>>, vector<2048x128xi32>
      tpu.vector_store %arg11[%swap3A_213, %swap3A_214], %select_n3A_212 {strides = array<i32>} : memref<2048x128xi32, #tpu.memory_space<vmem>>, vector<2048x128xi32>,
      %get3A_216 = arith.constant 0 : index
      %get3A_217 = arith.constant 0 : index
      %get3A_218 = vector.load %arg10[%get3A_216, %get3A_217] : memref<2048x128xf32, #tpu.memory_space<vmem>>, vector<2048x128xf32>
      %select_n3A_219 = arith.select %lt3A_203, %slice3A_199, %get3A_218 : vector<2048x128xi1>, vector<2048x128xf32>
      %swap3A_220 = arith.constant 0 : index
      %swap3A_221 = arith.constant 0 : index
      %swap3A_222 = vector.load %arg10[%swap3A_220, %swap3A_221] : memref<2048x128xf32, #tpu.memory_space<vmem>>, vector<2048x128xf32>
      tpu.vector_store %arg10[%swap3A_220, %swap3A_221], %select_n3A_219 {strides = array<i32>} : memref<2048x128xf32, #tpu.memory_space<vmem>>, vector<2048x128xf32>,
      %slice3A_223 = vector.extract_strided_slice %add3A_14 {offsets = [0, 1024], sizes = [2048, 128], strides = [1, 1]} : vector<2048x2048xf32> to vector<2048x128xf32>
      %get3A_224 = arith.constant 0 : index
      %get3A_225 = arith.constant 0 : index
      %get3A_226 = vector.load %arg10[%get3A_224, %get3A_225] : memref<2048x128xf32, #tpu.memory_space<vmem>>, vector<2048x128xf32>
      %lt3A_227 = arith.cmpf olt, %slice3A_223, %get3A_226 : vector<2048x128xf32>
      %mul3A_228 = arith.constant 16 : i32
      %mul3A_229 = arith.muli %arg1, %mul3A_228 : i32
      %add3A_230 = arith.constant 8 : i32
      %add3A_231 = arith.addi %mul3A_229, %add3A_230 : i32
      %get3A_232 = arith.constant 0 : index
      %get3A_233 = arith.constant 0 : index
      %get3A_234 = vector.load %arg11[%get3A_232, %get3A_233] : memref<2048x128xi32, #tpu.memory_space<vmem>>, vector<2048x128xi32>
      %broadcast_in_dim3A_235 = vector.broadcast %add3A_231 : i32 to vector<2048x128xi32>
      %select_n3A_236 = arith.select %lt3A_227, %broadcast_in_dim3A_235, %get3A_234 : vector<2048x128xi1>, vector<2048x128xi32>
      %swap3A_237 = arith.constant 0 : index
      %swap3A_238 = arith.constant 0 : index
      %swap3A_239 = vector.load %arg11[%swap3A_237, %swap3A_238] : memref<2048x128xi32, #tpu.memory_space<vmem>>, vector<2048x128xi32>
      tpu.vector_store %arg11[%swap3A_237, %swap3A_238], %select_n3A_236 {strides = array<i32>} : memref<2048x128xi32, #tpu.memory_space<vmem>>, vector<2048x128xi32>,
      %get3A_240 = arith.constant 0 : index
      %get3A_241 = arith.constant 0 : index
      %get3A_242 = vector.load %arg10[%get3A_240, %get3A_241] : memref<2048x128xf32, #tpu.memory_space<vmem>>, vector<2048x128xf32>
      %select_n3A_243 = arith.select %lt3A_227, %slice3A_223, %get3A_242 : vector<2048x128xi1>, vector<2048x128xf32>
      %swap3A_244 = arith.constant 0 : index
      %swap3A_245 = arith.constant 0 : index
      %swap3A_246 = vector.load %arg10[%swap3A_244, %swap3A_245] : memref<2048x128xf32, #tpu.memory_space<vmem>>, vector<2048x128xf32>
      tpu.vector_store %arg10[%swap3A_244, %swap3A_245], %select_n3A_243 {strides = array<i32>} : memref<2048x128xf32, #tpu.memory_space<vmem>>, vector<2048x128xf32>,
      %slice3A_247 = vector.extract_strided_slice %add3A_14 {offsets = [0, 1152], sizes = [2048, 128], strides = [1, 1]} : vector<2048x2048xf32> to vector<2048x128xf32>
      %get3A_248 = arith.constant 0 : index
      %get3A_249 = arith.constant 0 : index
      %get3A_250 = vector.load %arg10[%get3A_248, %get3A_249] : memref<2048x128xf32, #tpu.memory_space<vmem>>, vector<2048x128xf32>
      %lt3A_251 = arith.cmpf olt, %slice3A_247, %get3A_250 : vector<2048x128xf32>
      %mul3A_252 = arith.constant 16 : i32
      %mul3A_253 = arith.muli %arg1, %mul3A_252 : i32
      %add3A_254 = arith.constant 9 : i32
      %add3A_255 = arith.addi %mul3A_253, %add3A_254 : i32
      %get3A_256 = arith.constant 0 : index
      %get3A_257 = arith.constant 0 : index
      %get3A_258 = vector.load %arg11[%get3A_256, %get3A_257] : memref<2048x128xi32, #tpu.memory_space<vmem>>, vector<2048x128xi32>
      %broadcast_in_dim3A_259 = vector.broadcast %add3A_255 : i32 to vector<2048x128xi32>
      %select_n3A_260 = arith.select %lt3A_251, %broadcast_in_dim3A_259, %get3A_258 : vector<2048x128xi1>, vector<2048x128xi32>
      %swap3A_261 = arith.constant 0 : index
      %swap3A_262 = arith.constant 0 : index
      %swap3A_263 = vector.load %arg11[%swap3A_261, %swap3A_262] : memref<2048x128xi32, #tpu.memory_space<vmem>>, vector<2048x128xi32>
      tpu.vector_store %arg11[%swap3A_261, %swap3A_262], %select_n3A_260 {strides = array<i32>} : memref<2048x128xi32, #tpu.memory_space<vmem>>, vector<2048x128xi32>,
      %get3A_264 = arith.constant 0 : index
      %get3A_265 = arith.constant 0 : index
      %get3A_266 = vector.load %arg10[%get3A_264, %get3A_265] : memref<2048x128xf32, #tpu.memory_space<vmem>>, vector<2048x128xf32>
      %select_n3A_267 = arith.select %lt3A_251, %slice3A_247, %get3A_266 : vector<2048x128xi1>, vector<2048x128xf32>
      %swap3A_268 = arith.constant 0 : index
      %swap3A_269 = arith.constant 0 : index
      %swap3A_270 = vector.load %arg10[%swap3A_268, %swap3A_269] : memref<2048x128xf32, #tpu.memory_space<vmem>>, vector<2048x128xf32>
      tpu.vector_store %arg10[%swap3A_268, %swap3A_269], %select_n3A_267 {strides = array<i32>} : memref<2048x128xf32, #tpu.memory_space<vmem>>, vector<2048x128xf32>,
      %slice3A_271 = vector.extract_strided_slice %add3A_14 {offsets = [0, 1280], sizes = [2048, 128], strides = [1, 1]} : vector<2048x2048xf32> to vector<2048x128xf32>
      %get3A_272 = arith.constant 0 : index
      %get3A_273 = arith.constant 0 : index
      %get3A_274 = vector.load %arg10[%get3A_272, %get3A_273] : memref<2048x128xf32, #tpu.memory_space<vmem>>, vector<2048x128xf32>
      %lt3A_275 = arith.cmpf olt, %slice3A_271, %get3A_274 : vector<2048x128xf32>
      %mul3A_276 = arith.constant 16 : i32
      %mul3A_277 = arith.muli %arg1, %mul3A_276 : i32
      %add3A_278 = arith.constant 10 : i32
      %add3A_279 = arith.addi %mul3A_277, %add3A_278 : i32
      %get3A_280 = arith.constant 0 : index
      %get3A_281 = arith.constant 0 : index
      %get3A_282 = vector.load %arg11[%get3A_280, %get3A_281] : memref<2048x128xi32, #tpu.memory_space<vmem>>, vector<2048x128xi32>
      %broadcast_in_dim3A_283 = vector.broadcast %add3A_279 : i32 to vector<2048x128xi32>
      %select_n3A_284 = arith.select %lt3A_275, %broadcast_in_dim3A_283, %get3A_282 : vector<2048x128xi1>, vector<2048x128xi32>
      %swap3A_285 = arith.constant 0 : index
      %swap3A_286 = arith.constant 0 : index
      %swap3A_287 = vector.load %arg11[%swap3A_285, %swap3A_286] : memref<2048x128xi32, #tpu.memory_space<vmem>>, vector<2048x128xi32>
      tpu.vector_store %arg11[%swap3A_285, %swap3A_286], %select_n3A_284 {strides = array<i32>} : memref<2048x128xi32, #tpu.memory_space<vmem>>, vector<2048x128xi32>,
      %get3A_288 = arith.constant 0 : index
      %get3A_289 = arith.constant 0 : index
      %get3A_290 = vector.load %arg10[%get3A_288, %get3A_289] : memref<2048x128xf32, #tpu.memory_space<vmem>>, vector<2048x128xf32>
      %select_n3A_291 = arith.select %lt3A_275, %slice3A_271, %get3A_290 : vector<2048x128xi1>, vector<2048x128xf32>
      %swap3A_292 = arith.constant 0 : index
      %swap3A_293 = arith.constant 0 : index
      %swap3A_294 = vector.load %arg10[%swap3A_292, %swap3A_293] : memref<2048x128xf32, #tpu.memory_space<vmem>>, vector<2048x128xf32>
      tpu.vector_store %arg10[%swap3A_292, %swap3A_293], %select_n3A_291 {strides = array<i32>} : memref<2048x128xf32, #tpu.memory_space<vmem>>, vector<2048x128xf32>,
      %slice3A_295 = vector.extract_strided_slice %add3A_14 {offsets = [0, 1408], sizes = [2048, 128], strides = [1, 1]} : vector<2048x2048xf32> to vector<2048x128xf32>
      %get3A_296 = arith.constant 0 : index
      %get3A_297 = arith.constant 0 : index
      %get3A_298 = vector.load %arg10[%get3A_296, %get3A_297] : memref<2048x128xf32, #tpu.memory_space<vmem>>, vector<2048x128xf32>
      %lt3A_299 = arith.cmpf olt, %slice3A_295, %get3A_298 : vector<2048x128xf32>
      %mul3A_300 = arith.constant 16 : i32
      %mul3A_301 = arith.muli %arg1, %mul3A_300 : i32
      %add3A_302 = arith.constant 11 : i32
      %add3A_303 = arith.addi %mul3A_301, %add3A_302 : i32
      %get3A_304 = arith.constant 0 : index
      %get3A_305 = arith.constant 0 : index
      %get3A_306 = vector.load %arg11[%get3A_304, %get3A_305] : memref<2048x128xi32, #tpu.memory_space<vmem>>, vector<2048x128xi32>
      %broadcast_in_dim3A_307 = vector.broadcast %add3A_303 : i32 to vector<2048x128xi32>
      %select_n3A_308 = arith.select %lt3A_299, %broadcast_in_dim3A_307, %get3A_306 : vector<2048x128xi1>, vector<2048x128xi32>
      %swap3A_309 = arith.constant 0 : index
      %swap3A_310 = arith.constant 0 : index
      %swap3A_311 = vector.load %arg11[%swap3A_309, %swap3A_310] : memref<2048x128xi32, #tpu.memory_space<vmem>>, vector<2048x128xi32>
      tpu.vector_store %arg11[%swap3A_309, %swap3A_310], %select_n3A_308 {strides = array<i32>} : memref<2048x128xi32, #tpu.memory_space<vmem>>, vector<2048x128xi32>,
      %get3A_312 = arith.constant 0 : index
      %get3A_313 = arith.constant 0 : index
      %get3A_314 = vector.load %arg10[%get3A_312, %get3A_313] : memref<2048x128xf32, #tpu.memory_space<vmem>>, vector<2048x128xf32>
      %select_n3A_315 = arith.select %lt3A_299, %slice3A_295, %get3A_314 : vector<2048x128xi1>, vector<2048x128xf32>
      %swap3A_316 = arith.constant 0 : index
      %swap3A_317 = arith.constant 0 : index
      %swap3A_318 = vector.load %arg10[%swap3A_316, %swap3A_317] : memref<2048x128xf32, #tpu.memory_space<vmem>>, vector<2048x128xf32>
      tpu.vector_store %arg10[%swap3A_316, %swap3A_317], %select_n3A_315 {strides = array<i32>} : memref<2048x128xf32, #tpu.memory_space<vmem>>, vector<2048x128xf32>,
      %slice3A_319 = vector.extract_strided_slice %add3A_14 {offsets = [0, 1536], sizes = [2048, 128], strides = [1, 1]} : vector<2048x2048xf32> to vector<2048x128xf32>
      %get3A_320 = arith.constant 0 : index
      %get3A_321 = arith.constant 0 : index
      %get3A_322 = vector.load %arg10[%get3A_320, %get3A_321] : memref<2048x128xf32, #tpu.memory_space<vmem>>, vector<2048x128xf32>
      %lt3A_323 = arith.cmpf olt, %slice3A_319, %get3A_322 : vector<2048x128xf32>
      %mul3A_324 = arith.constant 16 : i32
      %mul3A_325 = arith.muli %arg1, %mul3A_324 : i32
      %add3A_326 = arith.constant 12 : i32
      %add3A_327 = arith.addi %mul3A_325, %add3A_326 : i32
      %get3A_328 = arith.constant 0 : index
      %get3A_329 = arith.constant 0 : index
      %get3A_330 = vector.load %arg11[%get3A_328, %get3A_329] : memref<2048x128xi32, #tpu.memory_space<vmem>>, vector<2048x128xi32>
      %broadcast_in_dim3A_331 = vector.broadcast %add3A_327 : i32 to vector<2048x128xi32>
      %select_n3A_332 = arith.select %lt3A_323, %broadcast_in_dim3A_331, %get3A_330 : vector<2048x128xi1>, vector<2048x128xi32>
      %swap3A_333 = arith.constant 0 : index
      %swap3A_334 = arith.constant 0 : index
      %swap3A_335 = vector.load %arg11[%swap3A_333, %swap3A_334] : memref<2048x128xi32, #tpu.memory_space<vmem>>, vector<2048x128xi32>
      tpu.vector_store %arg11[%swap3A_333, %swap3A_334], %select_n3A_332 {strides = array<i32>} : memref<2048x128xi32, #tpu.memory_space<vmem>>, vector<2048x128xi32>,
      %get3A_336 = arith.constant 0 : index
      %get3A_337 = arith.constant 0 : index
      %get3A_338 = vector.load %arg10[%get3A_336, %get3A_337] : memref<2048x128xf32, #tpu.memory_space<vmem>>, vector<2048x128xf32>
      %select_n3A_339 = arith.select %lt3A_323, %slice3A_319, %get3A_338 : vector<2048x128xi1>, vector<2048x128xf32>
      %swap3A_340 = arith.constant 0 : index
      %swap3A_341 = arith.constant 0 : index
      %swap3A_342 = vector.load %arg10[%swap3A_340, %swap3A_341] : memref<2048x128xf32, #tpu.memory_space<vmem>>, vector<2048x128xf32>
      tpu.vector_store %arg10[%swap3A_340, %swap3A_341], %select_n3A_339 {strides = array<i32>} : memref<2048x128xf32, #tpu.memory_space<vmem>>, vector<2048x128xf32>,
      %slice3A_343 = vector.extract_strided_slice %add3A_14 {offsets = [0, 1664], sizes = [2048, 128], strides = [1, 1]} : vector<2048x2048xf32> to vector<2048x128xf32>
      %get3A_344 = arith.constant 0 : index
      %get3A_345 = arith.constant 0 : index
      %get3A_346 = vector.load %arg10[%get3A_344, %get3A_345] : memref<2048x128xf32, #tpu.memory_space<vmem>>, vector<2048x128xf32>
      %lt3A_347 = arith.cmpf olt, %slice3A_343, %get3A_346 : vector<2048x128xf32>
      %mul3A_348 = arith.constant 16 : i32
      %mul3A_349 = arith.muli %arg1, %mul3A_348 : i32
      %add3A_350 = arith.constant 13 : i32
      %add3A_351 = arith.addi %mul3A_349, %add3A_350 : i32
      %get3A_352 = arith.constant 0 : index
      %get3A_353 = arith.constant 0 : index
      %get3A_354 = vector.load %arg11[%get3A_352, %get3A_353] : memref<2048x128xi32, #tpu.memory_space<vmem>>, vector<2048x128xi32>
      %broadcast_in_dim3A_355 = vector.broadcast %add3A_351 : i32 to vector<2048x128xi32>
      %select_n3A_356 = arith.select %lt3A_347, %broadcast_in_dim3A_355, %get3A_354 : vector<2048x128xi1>, vector<2048x128xi32>
      %swap3A_357 = arith.constant 0 : index
      %swap3A_358 = arith.constant 0 : index
      %swap3A_359 = vector.load %arg11[%swap3A_357, %swap3A_358] : memref<2048x128xi32, #tpu.memory_space<vmem>>, vector<2048x128xi32>
      tpu.vector_store %arg11[%swap3A_357, %swap3A_358], %select_n3A_356 {strides = array<i32>} : memref<2048x128xi32, #tpu.memory_space<vmem>>, vector<2048x128xi32>,
      %get3A_360 = arith.constant 0 : index
      %get3A_361 = arith.constant 0 : index
      %get3A_362 = vector.load %arg10[%get3A_360, %get3A_361] : memref<2048x128xf32, #tpu.memory_space<vmem>>, vector<2048x128xf32>
      %select_n3A_363 = arith.select %lt3A_347, %slice3A_343, %get3A_362 : vector<2048x128xi1>, vector<2048x128xf32>
      %swap3A_364 = arith.constant 0 : index
      %swap3A_365 = arith.constant 0 : index
      %swap3A_366 = vector.load %arg10[%swap3A_364, %swap3A_365] : memref<2048x128xf32, #tpu.memory_space<vmem>>, vector<2048x128xf32>
      tpu.vector_store %arg10[%swap3A_364, %swap3A_365], %select_n3A_363 {strides = array<i32>} : memref<2048x128xf32, #tpu.memory_space<vmem>>, vector<2048x128xf32>,
      %slice3A_367 = vector.extract_strided_slice %add3A_14 {offsets = [0, 1792], sizes = [2048, 128], strides = [1, 1]} : vector<2048x2048xf32> to vector<2048x128xf32>
      %get3A_368 = arith.constant 0 : index
      %get3A_369 = arith.constant 0 : index
      %get3A_370 = vector.load %arg10[%get3A_368, %get3A_369] : memref<2048x128xf32, #tpu.memory_space<vmem>>, vector<2048x128xf32>
      %lt3A_371 = arith.cmpf olt, %slice3A_367, %get3A_370 : vector<2048x128xf32>
      %mul3A_372 = arith.constant 16 : i32
      %mul3A_373 = arith.muli %arg1, %mul3A_372 : i32
      %add3A_374 = arith.constant 14 : i32
      %add3A_375 = arith.addi %mul3A_373, %add3A_374 : i32
      %get3A_376 = arith.constant 0 : index
      %get3A_377 = arith.constant 0 : index
      %get3A_378 = vector.load %arg11[%get3A_376, %get3A_377] : memref<2048x128xi32, #tpu.memory_space<vmem>>, vector<2048x128xi32>
      %broadcast_in_dim3A_379 = vector.broadcast %add3A_375 : i32 to vector<2048x128xi32>
      %select_n3A_380 = arith.select %lt3A_371, %broadcast_in_dim3A_379, %get3A_378 : vector<2048x128xi1>, vector<2048x128xi32>
      %swap3A_381 = arith.constant 0 : index
      %swap3A_382 = arith.constant 0 : index
      %swap3A_383 = vector.load %arg11[%swap3A_381, %swap3A_382] : memref<2048x128xi32, #tpu.memory_space<vmem>>, vector<2048x128xi32>
      tpu.vector_store %arg11[%swap3A_381, %swap3A_382], %select_n3A_380 {strides = array<i32>} : memref<2048x128xi32, #tpu.memory_space<vmem>>, vector<2048x128xi32>,
      %get3A_384 = arith.constant 0 : index
      %get3A_385 = arith.constant 0 : index
      %get3A_386 = vector.load %arg10[%get3A_384, %get3A_385] : memref<2048x128xf32, #tpu.memory_space<vmem>>, vector<2048x128xf32>
      %select_n3A_387 = arith.select %lt3A_371, %slice3A_367, %get3A_386 : vector<2048x128xi1>, vector<2048x128xf32>
      %swap3A_388 = arith.constant 0 : index
      %swap3A_389 = arith.constant 0 : index
      %swap3A_390 = vector.load %arg10[%swap3A_388, %swap3A_389] : memref<2048x128xf32, #tpu.memory_space<vmem>>, vector<2048x128xf32>
      tpu.vector_store %arg10[%swap3A_388, %swap3A_389], %select_n3A_387 {strides = array<i32>} : memref<2048x128xf32, #tpu.memory_space<vmem>>, vector<2048x128xf32>,
      %slice3A_391 = vector.extract_strided_slice %add3A_14 {offsets = [0, 1920], sizes = [2048, 128], strides = [1, 1]} : vector<2048x2048xf32> to vector<2048x128xf32>
      %get3A_392 = arith.constant 0 : index
      %get3A_393 = arith.constant 0 : index
      %get3A_394 = vector.load %arg10[%get3A_392, %get3A_393] : memref<2048x128xf32, #tpu.memory_space<vmem>>, vector<2048x128xf32>
      %lt3A_395 = arith.cmpf olt, %slice3A_391, %get3A_394 : vector<2048x128xf32>
      %mul3A_396 = arith.constant 16 : i32
      %mul3A_397 = arith.muli %arg1, %mul3A_396 : i32
      %add3A_398 = arith.constant 15 : i32
      %add3A_399 = arith.addi %mul3A_397, %add3A_398 : i32
      %get3A_400 = arith.constant 0 : index
      %get3A_401 = arith.constant 0 : index
      %get3A_402 = vector.load %arg11[%get3A_400, %get3A_401] : memref<2048x128xi32, #tpu.memory_space<vmem>>, vector<2048x128xi32>
      %broadcast_in_dim3A_403 = vector.broadcast %add3A_399 : i32 to vector<2048x128xi32>
      %select_n3A_404 = arith.select %lt3A_395, %broadcast_in_dim3A_403, %get3A_402 : vector<2048x128xi1>, vector<2048x128xi32>
      %swap3A_405 = arith.constant 0 : index
      %swap3A_406 = arith.constant 0 : index
      %swap3A_407 = vector.load %arg11[%swap3A_405, %swap3A_406] : memref<2048x128xi32, #tpu.memory_space<vmem>>, vector<2048x128xi32>
      tpu.vector_store %arg11[%swap3A_405, %swap3A_406], %select_n3A_404 {strides = array<i32>} : memref<2048x128xi32, #tpu.memory_space<vmem>>, vector<2048x128xi32>,
      %get3A_408 = arith.constant 0 : index
      %get3A_409 = arith.constant 0 : index
      %get3A_410 = vector.load %arg10[%get3A_408, %get3A_409] : memref<2048x128xf32, #tpu.memory_space<vmem>>, vector<2048x128xf32>
      %select_n3A_411 = arith.select %lt3A_395, %slice3A_391, %get3A_410 : vector<2048x128xi1>, vector<2048x128xf32>
      %swap3A_412 = arith.constant 0 : index
      %swap3A_413 = arith.constant 0 : index
      %swap3A_414 = vector.load %arg10[%swap3A_412, %swap3A_413] : memref<2048x128xf32, #tpu.memory_space<vmem>>, vector<2048x128xf32>
      tpu.vector_store %arg10[%swap3A_412, %swap3A_413], %select_n3A_411 {strides = array<i32>} : memref<2048x128xf32, #tpu.memory_space<vmem>>, vector<2048x128xf32>,
      %get3A_415 = arith.constant 0 : index
      %get3A_416 = arith.constant 0 : index
      %get3A_417 = vector.load %arg10[%get3A_415, %get3A_416] : memref<2048x128xf32, #tpu.memory_space<vmem>>, vector<2048x128xf32>
      %reduce_min3A = arith.constant dense<0x7F800000> : vector<2048xf32>
      %reduce_min3A_418 = vector.multi_reduction <minimumf>, %get3A_417, %reduce_min3A [1] : vector<2048x128xf32> to vector<2048xf32>
      %broadcast_in_dim3A_419 = vector.shape_cast %reduce_min3A_418 : vector<2048xf32> to vector<2048x1xf32>
      %get3A_420 = arith.constant 0 : index
      %get3A_421 = arith.constant 0 : index
      %get3A_422 = vector.load %arg11[%get3A_420, %get3A_421] : memref<2048x128xi32, #tpu.memory_space<vmem>>, vector<2048x128xi32>
      %mul3A_423 = arith.constant 128 : i32
      %mul3A_424 = vector.broadcast %mul3A_423 : i32 to vector<2048x128xi32>
      %mul3A_425 = arith.muli %get3A_422, %mul3A_424 : vector<2048x128xi32>
      %add3A_426 = arith.addi %mul3A_425, %iota3A : vector<2048x128xi32>
      %get3A_427 = arith.constant 0 : index
      %get3A_428 = arith.constant 0 : index
      %get3A_429 = vector.load %arg10[%get3A_427, %get3A_428] : memref<2048x128xf32, #tpu.memory_space<vmem>>, vector<2048x128xf32>
      %eq3A_430 = vector.broadcast %broadcast_in_dim3A_419 : vector<2048x1xf32> to vector<2048x128xf32>
      %eq3A_431 = arith.cmpf oeq, %get3A_429, %eq3A_430 : vector<2048x128xf32>
      %jit3A = arith.constant 8192 : i32
      %broadcast_in_dim3A_432 = vector.broadcast %jit3A : i32 to vector<2048x128xi32>
      %select_n3A_433 = arith.select %eq3A_431, %add3A_426, %broadcast_in_dim3A_432 : vector<2048x128xi1>, vector<2048x128xi32>
      %reduce_min3A_434 = arith.constant dense<2147483647> : vector<2048xi32>
      %reduce_min3A_435 = vector.multi_reduction <minsi>, %select_n3A_433, %reduce_min3A_434 [1] : vector<2048x128xi32> to vector<2048xi32>
      %broadcast_in_dim3A_436 = vector.shape_cast %reduce_min3A_435 : vector<2048xi32> to vector<2048x1xi32>
      %get3A_437 = arith.constant 0 : index
      %get3A_438 = arith.constant 0 : index
      %get3A_439 = vector.load %arg8[%get3A_437, %get3A_438] : memref<2048x1xf32, #tpu.memory_space<vmem>>, vector<2048x1xf32>
      %convert_element_type3A_440 = arith.truncf %get3A_439 : vector<2048x1xf32> to vector<2048x1xbf16>
      %convert_element_type3A_441 = arith.extf %convert_element_type3A_440 : vector<2048x1xbf16> to vector<2048x1xf32>
      %swap3A_442 = arith.constant 0 : index
      %swap3A_443 = arith.constant 0 : index
      %swap3A_444 = vector.load %arg8[%swap3A_442, %swap3A_443] : memref<2048x1xf32, #tpu.memory_space<vmem>>, vector<2048x1xf32>
      tpu.vector_store %arg8[%swap3A_442, %swap3A_443], %convert_element_type3A_441 {strides = array<i32>} : memref<2048x1xf32, #tpu.memory_space<vmem>>, vector<2048x1xf32>,
      %get3A_445 = arith.constant 0 : index
      %get3A_446 = arith.constant 0 : index
      %get3A_447 = vector.load %arg8[%get3A_445, %get3A_446] : memref<2048x1xf32, #tpu.memory_space<vmem>>, vector<2048x1xf32>
      %lt3A_448 = arith.cmpf olt, %broadcast_in_dim3A_419, %get3A_447 : vector<2048x1xf32>
      %get3A_449 = arith.constant 0 : index
      %get3A_450 = arith.constant 0 : index
      %get3A_451 = vector.load %arg9[%get3A_449, %get3A_450] : memref<2048x1xi32, #tpu.memory_space<vmem>>, vector<2048x1xi32>
      %select_n3A_452 = arith.select %lt3A_448, %broadcast_in_dim3A_436, %get3A_451 : vector<2048x1xi1>, vector<2048x1xi32>
      %swap3A_453 = arith.constant 0 : index
      %swap3A_454 = arith.constant 0 : index
      %swap3A_455 = vector.load %arg9[%swap3A_453, %swap3A_454] : memref<2048x1xi32, #tpu.memory_space<vmem>>, vector<2048x1xi32>
      tpu.vector_store %arg9[%swap3A_453, %swap3A_454], %select_n3A_452 {strides = array<i32>} : memref<2048x1xi32, #tpu.memory_space<vmem>>, vector<2048x1xi32>,
      %get3A_456 = arith.constant 0 : index
      %get3A_457 = arith.constant 0 : index
      %get3A_458 = vector.load %arg8[%get3A_456, %get3A_457] : memref<2048x1xf32, #tpu.memory_space<vmem>>, vector<2048x1xf32>
      %select_n3A_459 = arith.select %lt3A_448, %broadcast_in_dim3A_419, %get3A_458 : vector<2048x1xi1>, vector<2048x1xf32>
      %swap3A_460 = arith.constant 0 : index
      %swap3A_461 = arith.constant 0 : index
      %swap3A_462 = vector.load %arg8[%swap3A_460, %swap3A_461] : memref<2048x1xf32, #tpu.memory_space<vmem>>, vector<2048x1xf32>
      tpu.vector_store %arg8[%swap3A_460, %swap3A_461], %select_n3A_459 {strides = array<i32>} : memref<2048x1xf32, #tpu.memory_space<vmem>>, vector<2048x1xf32>,
      %broadcast_in_dim3A_463 = arith.constant 0x7F800000 : f32
      %broadcast_in_dim3A_464 = vector.broadcast %broadcast_in_dim3A_463 : f32 to vector<2048x128xf32>
      %swap3A_465 = arith.constant 0 : index
      %swap3A_466 = arith.constant 0 : index
      %swap3A_467 = vector.load %arg10[%swap3A_465, %swap3A_466] : memref<2048x128xf32, #tpu.memory_space<vmem>>, vector<2048x128xf32>
      tpu.vector_store %arg10[%swap3A_465, %swap3A_466], %broadcast_in_dim3A_464 {strides = array<i32>} : memref<2048x128xf32, #tpu.memory_space<vmem>>, vector<2048x128xf32>,
      %broadcast_in_dim3A_468 = arith.constant 0 : i32
      %broadcast_in_dim3A_469 = vector.broadcast %broadcast_in_dim3A_468 : i32 to vector<2048x128xi32>
      %swap3A_470 = arith.constant 0 : index
      %swap3A_471 = arith.constant 0 : index
      %swap3A_472 = vector.load %arg11[%swap3A_470, %swap3A_471] : memref<2048x128xi32, #tpu.memory_space<vmem>>, vector<2048x128xi32>
      tpu.vector_store %arg11[%swap3A_470, %swap3A_471], %broadcast_in_dim3A_469 {strides = array<i32>} : memref<2048x128xi32, #tpu.memory_space<vmem>>, vector<2048x128xi32>,
      %get3A_473 = arith.constant 0 : index
      %get3A_474 = arith.constant 0 : index
      %get3A_475 = vector.load %arg9[%get3A_473, %get3A_474] : memref<2048x1xi32, #tpu.memory_space<vmem>>, vector<2048x1xi32>
      %swap3A_476 = arith.constant 0 : index
      %swap3A_477 = arith.constant 0 : index
      %swap3A_478 = vector.load %arg6[%swap3A_476, %swap3A_477] : memref<2048x1xi32, #tpu.memory_space<vmem>>, vector<2048x1xi32>
      tpu.vector_store %arg6[%swap3A_476, %swap3A_477], %get3A_475 {strides = array<i32>} : memref<2048x1xi32, #tpu.memory_space<vmem>>, vector<2048x1xi32>,
      %eq3A_479 = arith.constant 0 : i32
      %eq3A_480 = arith.cmpi eq, %arg0, %eq3A_479 : i32
      %convert_element_type3A_481 = arith.extui %eq3A_480 : i1 to i32
      %cond3A_482 = arith.constant 0 : i32
      %cond3A_483 = arith.cmpi ne, %convert_element_type3A_481, %cond3A_482 : i32
      scf.if %cond3A_483 {
        %broadcast_in_dim3A_503 = arith.constant 0.000000e+00 : f32
        %broadcast_in_dim3A_504 = vector.broadcast %broadcast_in_dim3A_503 : f32 to vector<1x1xf32>
        %swap3A_505 = arith.constant 0 : index
        %swap3A_506 = arith.constant 0 : index
        %swap3A_507 = vector.load %arg7[%swap3A_505, %swap3A_506] : memref<1x1xf32, #tpu.memory_space<vmem>>, vector<1x1xf32>
        tpu.vector_store %arg7[%swap3A_505, %swap3A_506], %broadcast_in_dim3A_504 {strides = array<i32>} : memref<1x1xf32, #tpu.memory_space<vmem>>, vector<1x1xf32>,
      } else {
      }
      %get3A_484 = arith.constant 0 : index
      %get3A_485 = arith.constant 0 : index
      %get3A_486 = vector.load %arg7[%get3A_484, %get3A_485] : memref<1x1xf32, #tpu.memory_space<vmem>>, vector<1x1xf32>
      %get3A_487 = arith.constant 0 : index
      %get3A_488 = arith.constant 0 : index
      %get3A_489 = vector.load %arg8[%get3A_487, %get3A_488] : memref<2048x1xf32, #tpu.memory_space<vmem>>, vector<2048x1xf32>
      %reduce_sum3A = vector.shape_cast %get3A_489 : vector<2048x1xf32> to vector<1x2048x1xf32>
      %reduce_sum3A_490 = arith.constant dense<0.000000e+00> : vector<1xf32>
      %reduce_sum3A_491 = vector.multi_reduction <add>, %reduce_sum3A, %reduce_sum3A_490 [1, 2] : vector<1x2048x1xf32> to vector<1xf32>
      %reduce_sum3A_492 = vector.shape_cast %reduce_sum3A_491 : vector<1xf32> to vector<1x1x1xf32>
      %reduce_sum3A_493 = vector.extract %reduce_sum3A_492[0, 0, 0] : f32 from vector<1x1x1xf32>
      %reshape3A = vector.broadcast %reduce_sum3A_493 : f32 to vector<1x1xf32>
      %add3A_494 = arith.addf %get3A_486, %reshape3A : vector<1x1xf32>
      %swap3A_495 = arith.constant 0 : index
      %swap3A_496 = arith.constant 0 : index
      %swap3A_497 = vector.load %arg7[%swap3A_495, %swap3A_496] : memref<1x1xf32, #tpu.memory_space<vmem>>, vector<1x1xf32>
      tpu.vector_store %arg7[%swap3A_495, %swap3A_496], %add3A_494 {strides = array<i32>} : memref<1x1xf32, #tpu.memory_space<vmem>>, vector<1x1xf32>,
      %eq3A_498 = arith.constant 7 : i32
      %eq3A_499 = arith.cmpi eq, %arg0, %eq3A_498 : i32
      %convert_element_type3A_500 = arith.extui %eq3A_499 : i1 to i32
      %cond3A_501 = arith.constant 0 : i32
      %cond3A_502 = arith.cmpi ne, %convert_element_type3A_500, %cond3A_501 : i32
      scf.if %cond3A_502 {
        %get3A_503 = arith.constant 0 : index
        %get3A_504 = arith.constant 0 : index
        %get3A_505 = vector.load %arg7[%get3A_503, %get3A_504] : memref<1x1xf32, #tpu.memory_space<vmem>>, vector<1x1xf32>
        %mul3A_506 = arith.constant 2.98023224E-7 : f32
        %mul3A_507 = vector.broadcast %mul3A_506 : f32 to vector<1x1xf32>
        %mul3A_508 = arith.mulf %get3A_505, %mul3A_507 : vector<1x1xf32>
        %swap3A_509 = arith.constant 0 : index
        %swap3A_510 = arith.constant 0 : index
        %swap3A_511 = vector.load %arg7[%swap3A_509, %swap3A_510] : memref<1x1xf32, #tpu.memory_space<vmem>>, vector<1x1xf32>
        tpu.vector_store %arg7[%swap3A_509, %swap3A_510], %mul3A_508 {strides = array<i32>} : memref<1x1xf32, #tpu.memory_space<vmem>>, vector<1x1xf32>,
      } else {
      }
    } else {
    }
    return
  }
  func.func @transform_0(%arg0: i32, %arg1: i32) -> (i32, i32) {
    %c0_i32 = arith.constant 0 : i32
    %c0_i32_0 = arith.constant 0 : i32
    return %arg0, %c0_i32 : i32, i32
  }
  func.func @transform_1(%arg0: i32, %arg1: i32) -> (i32, i32) {
    %c0_i32 = arith.constant 0 : i32
    %c0_i32_0 = arith.constant 0 : i32
    return %arg1, %c0_i32 : i32, i32
  }
  func.func @transform_2(%arg0: i32, %arg1: i32) -> (i32, i32) {
    %c0_i32 = arith.constant 0 : i32
    %c0_i32_0 = arith.constant 0 : i32
    return %arg0, %c0_i32 : i32, i32
  }
  func.func @transform_3(%arg0: i32, %arg1: i32) -> (i32, i32) {
    %c0_i32 = arith.constant 0 : i32
    %c0_i32_0 = arith.constant 0 : i32
    return %c0_i32, %arg1 : i32, i32
  }
  func.func @transform_4(%arg0: i32, %arg1: i32) -> (i32, i32) {
    %c0_i32 = arith.constant 0 : i32
    %c0_i32_0 = arith.constant 0 : i32
    return %arg0, %c0_i32 : i32, i32
  }
  func.func @transform_5(%arg0: i32, %arg1: i32) -> (i32, i32) {
    %c0_i32 = arith.constant 0 : i32
    %c0_i32_0 = arith.constant 0 : i32
    %c0_i32_1 = arith.constant 0 : i32
    return %c0_i32, %c0_i32_0 : i32, i32
  }
}

</mosaic_0001>

<sc_bundles>
// kernel: kernel.4.cloned.1.call-start
scs
__scs_entry_jumppad:
0x0: {  	(pc) =	sbr.rel $0x88, $3  }
0x1: {  	(tag) =	ssettag $0x0;
	lr =	simm.s32 $0x1  }
0x2: {  	[smem:$0x3F9F] =	sst lr;
	_ =	strace $0xD0000000  }
0x3: {  	_ = 	snop  }
0x4: {  	_ = 	snop  }
0x5: {  	_ = 	snop  }
0x6: {  	_ = 	snop  }
0x7: {  	_ = 	snop  }
__scs_overlays_trampoline_lowered:
0x8: {  	[smem:$0x3FAE] =	sst s0  }
0x9: {  	[smem:$0x3FAF] =	sst s1  }
0xa: {  	[smem:$0x3FB0] =	sst s2  }
0xb: {  	[smem:$0x3FB1] =	sst s3  }
0xc: {  	[smem:$0x3FB2] =	sst s4  }
0xd: {  	[smem:$0x3FB3] =	sst s5  }
0xe: {  	[smem:$0x3FB4] =	sst s6  }
0xf: {  	[smem:$0x3FB5] =	sst s7  }
0x10: {  	[smem:$0x3FB6] =	sst s8  }
0x11: {  	[smem:$0x3FB7] =	sst s9;
	s0 =	simm.s32 @!p0 $0x0  }
0x12: {  	s1 =	sld [smem:$0x3F9D];
	s0 =	simm.s32 @p0 $0x1  }
0x13: {  	[smem:$0x3FB8] =	sst s0;
	s0 =	simm.s32 @!p1 $0x0  }
0x14: {  	s2 =	sld [smem:$0x3F9C];
	s0 =	simm.s32 @p1 $0x1  }
0x15: {  	[smem:$0x3FB9] =	sst s0;
	s0 =	simm.s32 @!p2 $0x0  }
0x16: {  	s3 =	sld [smem:$0x3FDB];
	s0 =	simm.s32 @p2 $0x1  }
0x17: {  	s4 =	simm.s32 $0x1BF5;
	[smem:$0x3FBB] =	sst s0  }
0x18: {  	s0 =	sld [smem:$0x3F9E];
	_ =	swait.ge [sflag:s4], $0x0  }
0x19: {  	s7 =	sld [smem:$0x3F9F]  }
0x1a: {  	s8 =	sadd.s32 $0xFFFFE003, lr  }
0x1b: {  	s9 =	sadd.s32 $0xFFFFFEF7, lr;
	s5 =	simm.s32 $0xFFFFFFFF;
	p2 =	slt.u32 s8, $0xFFFFF086  }
0x1c: {  	p1 =	slt.u32 s9, $0xF7A;
	s5 =	simm.s32 @!p2 $0x0  }
0x1d: {  	s5 =	simm.s32 @p1 $0x1;
	p0 =	seq.s32 s7, s2  }
0x1e: {  	s7 =	smul.u32 @!p0 $0xF7A, s2;
	p2 =	seq.s32 @!p0 s5, $0x0  }
0x1f: {  	s9 =	smul.u32 $0xF7A, s1;
	s8 =	simm.s32 @!p0 $0x1BF5;
	p2 =	por !p2, p0  }
0x20: {  	[sflag:s8] =	ssyncset.s32 @!p0 $0xFFFFF086;
	s6 =	sadd.s32 @!p0 s3, s7;
	s7 =	simm.s32 @!p0 $0x108  }
0x21: {  	s3 =	sadd.s32 s3, s9;
	s6 =	sadd.s32 @!p0 $0x88, s6;
	s7 =	simm.s32 @p2 $0x1082  }
0x22: {  	[simem:s7], [sflag:s8] =	dma.local @!p0 [hbm:s6], $0xF7A  }
0x23: {  	s9 =	sor.u32 $0xD0000000, s2;
	s6 =	simm.s32 $0x108;
	_ =	swait.ge @!p0 [sflag:s8], $0x0  }
0x24: {  	s3 =	sadd.s32 $0x88, s3;
	s6 =	simm.s32 @!p1 $0x1082;
	[sflag:s4] =	ssyncset.s32 $0xFFFFF086  }
0x25: {  	[simem:s6], [sflag:s4] =	dma.local [hbm:s3], $0xF7A  }
0x26: {  	[smem:$0x3F9F] =	sst s1;
	(tag) =	ssettag s2;
	_ =	strace s9  }
0x27: {  	s1 =	sld [smem:$0x3FAF]  }
0x28: {  	s2 =	sld [smem:$0x3FB0]  }
0x29: {  	s4 =	sld [smem:$0x3FB2]  }
0x2a: {  	p0 =	seq.s32 s5, $0x0;
	s5 =	sld [smem:$0x3FB3]  }
0x2b: {  	s6 =	sld [smem:$0x3FB4]  }
0x2c: {  	s7 =	sld [smem:$0x3FB5]  }
0x2d: {  	s3 =	simm.s32 $0x108;
	s8 =	sld [smem:$0x3FB6]  }
0x2e: {  	s3 =	simm.s32 @!p0 $0x1082;
	s9 =	sld [smem:$0x3FB7]  }
0x2f: {  	lr =	sadd.s32 s0, s3;
	s0 =	sld [smem:$0x3FAE]  }
0x30: {  	s3 =	sld [smem:$0x3FB1]  }
0x31: {  	[smem:$0x3FBA] =	sst s10  }
0x32: {  	s10 =	sld [smem:$0x3FB8];
	_ =	sdelay $0x3  }
0x33: {  	p0 =	seq.s32 s10, $0x1;
	s10 =	sld [smem:$0x3FBA];
	_ =	sdelay $0x3  }
0x34: {  	[smem:$0x3FBA] =	sst s10  }
0x35: {  	s10 =	sld [smem:$0x3FB9];
	_ =	sdelay $0x3  }
0x36: {  	p1 =	seq.s32 s10, $0x1;
	s10 =	sld [smem:$0x3FBA];
	_ =	sdelay $0x3  }
0x37: {  	[smem:$0x3FBA] =	sst s10  }
0x38: {  	s10 =	sld [smem:$0x3FBB]  }
0x39: {  	_ = 	snop;
	(pc) =	sbr.ind lr, $3  }
0x3a: {  	_ = 	snop  }
0x3b: {  	_ = 	snop  }
0x3c: {  	p2 =	seq.s32 s10, $0x1;
	s10 =	sld [smem:$0x3FBA]  }
0x3d: {  	_ =	shalt  }
0x3e: {  	_ =	shalt  }
0x3f: {  	_ =	shalt  }
0x40: {  	_ =	shalt  }
0x41: {  	_ =	shalt  }
0x42: {  	_ =	shalt  }
0x43: {  	_ =	shalt  }
0x44: {  	_ =	shalt  }
0x45: {  	_ =	shalt  }
0x46: {  	_ =	shalt  }
0x47: {  	_ =	shalt  }
0x48: {  	_ =	shalt  }
0x49: {  	_ =	shalt  }
0x4a: {  	_ =	shalt  }
0x4b: {  	_ =	shalt  }
0x4c: {  	_ =	shalt  }
0x4d: {  	_ =	shalt  }
0x4e: {  	_ =	shalt  }
0x4f: {  	_ =	shalt  }
0x50: {  	_ =	shalt  }
0x51: {  	_ =	shalt  }
0x52: {  	_ =	shalt  }
0x53: {  	_ =	shalt  }
0x54: {  	_ =	shalt  }
0x55: {  	_ =	shalt  }
0x56: {  	_ =	shalt  }
0x57: {  	_ =	shalt  }
0x58: {  	_ =	shalt  }
0x59: {  	_ =	shalt  }
0x5a: {  	_ =	shalt  }
0x5b: {  	_ =	shalt  }
0x5c: {  	_ =	shalt  }
0x5d: {  	_ =	shalt  }
0x5e: {  	_ =	shalt  }
0x5f: {  	_ =	shalt  }
0x60: {  	_ =	shalt  }
0x61: {  	_ =	shalt  }
0x62: {  	_ =	shalt  }
0x63: {  	_ =	shalt  }
0x64: {  	_ =	shalt  }
0x65: {  	_ =	shalt  }
0x66: {  	_ =	shalt  }
0x67: {  	_ =	shalt  }
0x68: {  	_ =	shalt  }
0x69: {  	_ =	shalt  }
0x6a: {  	_ =	shalt  }
0x6b: {  	_ =	shalt  }
0x6c: {  	_ =	shalt  }
0x6d: {  	_ =	shalt  }
0x6e: {  	_ =	shalt  }
0x6f: {  	_ =	shalt  }
0x70: {  	_ =	shalt  }
0x71: {  	_ =	shalt  }
0x72: {  	_ =	shalt  }
0x73: {  	_ =	shalt  }
0x74: {  	_ =	shalt  }
0x75: {  	_ =	shalt  }
0x76: {  	_ =	shalt  }
0x77: {  	_ =	shalt  }
0x78: {  	_ =	shalt  }
0x79: {  	_ =	shalt  }
0x7a: {  	_ =	shalt  }
0x7b: {  	_ =	shalt  }
0x7c: {  	_ =	shalt  }
0x7d: {  	_ =	shalt  }
0x7e: {  	_ =	shalt  }
0x7f: {  	_ =	shalt  }
0x80: {  	_ =	shalt  }
0x81: {  	_ =	shalt  }
0x82: {  	_ =	shalt  }
0x83: {  	_ =	shalt  }
0x84: {  	_ =	shalt  }
0x85: {  	_ =	shalt  }
0x86: {  	_ =	shalt  }
0x87: {  	_ =	shalt  }
.Lfunc_end0:
.L_simem_size_0:
called_computation_lowered:
.L_overlay_start_0:
0x88: {  	s2 =	sld [smem:$0x3FD9]  }
0x89: {  	s3 =	sld [smem:$0x3FFE];
	_ =	sdelay $0x1  }
0x8a: {  	s1 =	srdreg.scid  }
0x8b: {  	s0 =	sand.u32 $0x1, s1  }
0x8c: {  	s14 =	sshll.u32 s0, $0xA;
	s2 =	sadd.s32 s3, s2  }
0x8d: {  	s2 =	sadd.s32 s2, s14  }
0x8e: {  	[smem:$0x3FC6] =	sst s2  }
0x8f: {  	_ = 	snop  }
0x90: {  	s2 =	sld [smem:$0x3FD0];
	_ =	sdelay $0x2  }
0x91: {  	s4 =	simm.s32 $0xA;
	s5 =	simm.s32 $0x10;
	s15 =	sld [smem:$0x3FC8]  }
0x92: {  	[smem:s5], [sflag:s4] =	dma.local [hbm:s2], $0x1  }
0x93: {  	_ =	swait.eq [sflag:s4], $0x1  }
0x94: {  	[sflag:s4] =	ssyncset.done $0x0  }
0x95: {  	[sflag:s4] =	ssyncadd.s32 $0xFFFFFFFF  }
0x96: {  	s16 =	sld [smem:$0x10];
	(tm) =	ssettm $0x1  }
0x97: {  	s17 =	sld [smem:$0x3FFB];
	_ =	sdelay $0x3  }
0x98: {  	_ =	strace s17  }
0x99: {  	s4 =	sld [smem:$0x3FFC];
	_ =	sdelay $0x3  }
0x9a: {  	_ =	strace s4  }
0x9b: {  	s4 =	sld [smem:$0x3FFD];
	_ =	sdelay $0x3  }
0x9c: {  	_ =	strace s4  }
0x9d: {  	_ =	strace $0x8FFFFFFF  }
0x9e: {  	s18 =	sld [smem:$0x3FDB];
	_ =	sdelay $0x1  }
0x9f: {  	s19 =	simm.s32 $_scs_section_size  }
0xa0: {  	s6 =	simm.s32 $_size__tile_overlayer_lowered;
	s7 =	simm.s32 $_tile_overlayer_lowered  }
0xa1: {  	s22 =	simm.s32 $0x1BFF;
	s21 =	sshll.u32 s7, $0x1;
	s4 =	sadd.s32 s19, s18  }
0xa2: {  	s8 =	simm.s32 $0x0;
	s20 =	sshll.u32 s6, $0x1;
	s6 =	sadd.s32 s21, s4  }
0xa3: {  	[timem:s8], [sflag:s22] =	dma.local [hbm:s6], s20  }
0xa4: {  	_ =	swait.ge [sflag:s22], s20  }
0xa5: {  	s5 =	ssub.s32 $0x0, s20;
	[sflag:s22] =	ssyncset.done $0x0  }
0xa6: {  	[sflag:s22] =	ssyncadd.s32 s5;
	_ =	sdelay $0x1  }
0xa7: {  	s23 =	simm.s32 $0x1B8B  }
0xa8: {  	_ =	swait.ge [sflag:s23], $0x1  }
0xa9: {  	[sflag:s23] =	ssyncset.done $0x0  }
0xaa: {  	s25 =	simm.s32 $0x1B8E;
	s24 =	sld [smem:$0x3FFE];
	[sflag:s23] =	ssyncadd.s32 $0xFFFFFFFF  }
0xab: {  	s26 =	simm.s32 $execute0_lowered;
	[smem:$0x3FD2] =	sst s25  }
0xac: {  	s6 =	sshll.u32 s26, $0x1;
	_ =	strace $0x80000046;
	[dreg:$0x1] =	wrdreg $0xFFFFFFFF  }
0xad: {  	s28 =	simm.s32 $_size_execute0_lowered;
	s4 =	sadd.s32 s4, s6;
	[dreg:$0x0] =	wrdreg $0x0  }
0xae: {  	s6 =	sshll.u32 s28, $0x1;
	[dreg:$0x2] =	wrdreg s4  }
0xaf: {  	[dreg:$0x3] =	wrdreg s6  }
0xb0: {  	[dreg:$0x4] =	wrdreg $0xC0  }
0xb1: {  	_ =	task [dreg:s8], $0x5FFFF  }
0xb2: {  	[dreg:$0x1] =	wrdreg $0xFFFFFFFF  }
0xb3: {  	[dreg:$0x0] =	wrdreg $0x60  }
0xb4: {  	[dreg:$0x2] =	wrdreg s15  }
0xb5: {  	[dreg:$0x3] =	wrdreg s24  }
0xb6: {  	[dreg:$0x4] =	wrdreg s16  }
0xb7: {  	[dreg:$0x5] =	wrdreg $0x9  }
0xb8: {  	_ =	task.clear_ibuf [dreg:s8], $0x6FFFF;
	_ =	strace $0x90000046  }
0xb9: {  	s29 =	simm.s32 $0x9;
	_ =	strace $0x80000048  }
0xba: {  	_ =	swait.ge [sflag:s29], $0x1  }
0xbb: {  	[sflag:s29] =	ssyncadd.s32 $0xFFFFFFFF  }
0xbc: {  	_ =	strace $0x90000048  }
0xbd: {  	_ =	sfence  }
0xbe: {  	s30 =	sld [smem:$0x0];
	_ =	sdelay $0x2  }
0xbf: {  	s31 =	sshll.u32 s1, $0xD;
	s1 =	sshrl.u32 s1, $0x2  }
0xc0: {  	s3 =	sand.u32 $0x4000, s31;
	s1 =	sadd.s32 s1, s30  }
0xc1: {  	s0 =	sor.u32 s3, s0;
	s1 =	sshll.u32 s1, $0x11  }
0xc2: {  	s0 =	sor.u32 s1, s0  }
0xc3: {  	s0 =	sadd.s32 $0x8F2B, s0  }
0xc4: {  	[sflag:s0] =	ssyncadd.remote.s32 $0x1  }
0xc5: {  	_ =	sfence.sel $0xFFFF  }
0xc6: {  	[dreg:$0x0] =	wrdreg $0xFFFFFFFF;
	(pc) =	sbr.abs _section_cstart, $3  }
0xc7: {  	[dreg:$0x1] =	wrdreg $0xFFFFFFFF  }
0xc8: {  	_ =	task.clear_ibuf [dreg:s8], $0x2FFFF;
	_ =	strace $0x9FFFFFFF  }
0xc9: {  	(tm) =	ssettm $0x7FFFFFFF  }
tec
execute0_lowered:
.L_overlay_start_1:
0x0: {  	(tag) =	ssettag $0x1  }
0x1: {  	s1 =	rddreg [dreg:$0x0]  }
0x2: {  	s6 =	rddreg [dreg:$0x1]  }
0x3: {  	s5 =	rddreg [dreg:$0x2]  }
0x4: {  	s3 =	srdreg.scid;
	s0 =	rddreg [dreg:$0x3];
	s2 =	simm.s32 $0x0  }
0x5: {  	s11 =	simm.s32 $0x1880;
	s12 =	simm.s32 $0x2080;
	s13 =	simm.s32 $0x2880  }
0x6: {  	s14 =	simm.s32 $0x3080;
	s15 =	simm.s32 $0x3880;
	s16 =	simm.s32 $0x4080  }
0x7: {  	s17 =	simm.s32 $0x4880;
	s18 =	simm.s32 $0x5080;
	s19 =	simm.s32 $0x5880  }
0x8: {  	s20 =	simm.s32 $0x6080;
	s21 =	simm.s32 $0x6880;
	s22 =	simm.s32 $0x7080  }
0x9: {  	s23 =	simm.s32 $0x7880;
	s24 =	simm.s32 $0x1;
	s25 =	simm.s32 $0x0  }
0xa: {  	s7 =	sand.u32 $0x1, s3;
	[smem:$0x7FF] =	sst s2;
	s3 =	stileid.u32  }
0xb: {  	s4 =	ssub.s32 $0x2, s7;
	_ =	strace $0x80000047;
	s31 =	sshll.u32 s3, $0xA  }
0xc: {  	s9 =	sshll.u32 s7, $0x9;
	s10 =	sshll.u32 s3, $0xF;
	s7 =	sshll.u32 s7, $0xE  }
0xd: {  	s8 =	sshrl.u32 s4, $0x1;
	s5 =	sadd.s32 s10, s5;
	s10 =	simm.s32 $0x1080  }
0xe: {  	v2 =	vlaneseq.u32;
	s4 =	ssub.s32 s4, s8;
	s8 =	sor.u32 s9, s31;
	s5 =	sadd.s32 s7, s5  }
0xf: {  	vm0 =	vmmov $0xffff;
	v1 =	vshrl.u32 v2, $0x3;
	s7 =	simm.s32 $0x2;
	s9 =	simm.s32 $0x880;
	s8 =	sshrl.u32 s8, $0x3  }
0x10: {  	v0 =	vand.u32 $0x7, v2;
	v2 =	vor.u32 $0x8, v2;
	v1 =	vmul.u32 $0x8, v1;
	s4 =	smax.u32 s4, $0x1;
	s6 =	sadd.s32 s8, s6;
	s8 =	simm.s32 $0x80  }
.LBB2_1:
0x11: {  	s26 =	smov.u32 s5;
	s28 =	simm.s32 $0x0  }
.LBB2_2:
0x12: {  	s29 =	sadd.s32 s28, s6  }
0x13: {  	[tilespmem:s2], [sflag:$0x2] =	stream.linear.gather [hbm4b:s29+s2], $0x80, $0x38;
	[tilespmem:$0x8080] =	vst v63  }
0x14: {  	_ =	swait.ge [sflag:s7], $0x80  }
0x15: {  	[sflag:s7] =	ssyncset.done $0x0  }
0x16: {  	[sflag:s7] =	ssyncadd.s32 $0xFFFFFF80  }
0x17: {  	v3 =	vld [tilespmem:$0x0];
	_ =	sdelay $0x4  }
0x18: {  	v4 =	vshll.u32 v3, $0x1  }
0x19: {  	v3 =	vand.u32 $0x7, v3;
	v4 =	vand.u32 $0xFFFFFFF0, v4  }
0x1a: {  	v3 =	vor.u32 v3, v4  }
0x1b: {  	v4 =	vperm.xlane v3, v0;
	_ =	sdelay $0x1  }
0x1c: {  	v3 =	vperm.xlane v3, v2;
	v4 =	vadd.s32 v1, v4;
	_ =	sdelay $0x1  }
0x1d: {  	v3 =	vadd.s32 v1, v3;
	_ =	sdelay $0x2  }
0x1e: {  	[tilespmem:s8], [sflag:$0x1] =	stream.indirect_vreg.gather [hbm4b:s1+s2], $0x80, v4, vm0, $0xb8;
	[tilespmem:$0x8080] =	vst v63  }
0x1f: {  	_ = 	snop  }
0x20: {  	[tilespmem:s9], [sflag:$0x1] =	stream.indirect_vreg.gather [hbm4b:s1+s2], $0x80, v3, vm0, $0xb8;
	[tilespmem:$0x8080] =	vst v63  }
0x21: {  	v3 =	vld [tilespmem:$0x10];
	_ =	sdelay $0x4  }
0x22: {  	v57 =	vshll.u32 v3, $0x1  }
0x23: {  	v3 =	vand.u32 $0x7, v3;
	v4 =	vand.u32 $0xFFFFFFF0, v57  }
0x24: {  	v3 =	vor.u32 v3, v4  }
0x25: {  	v4 =	vperm.xlane v3, v0;
	_ =	sdelay $0x1  }
0x26: {  	v3 =	vperm.xlane v3, v2;
	v4 =	vadd.s32 v1, v4;
	_ =	sdelay $0x1  }
0x27: {  	v3 =	vadd.s32 v1, v3;
	_ =	sdelay $0x2  }
0x28: {  	[tilespmem:s10], [sflag:$0x1] =	stream.indirect_vreg.gather [hbm4b:s1+s2], $0x80, v4, vm0, $0xb8;
	[tilespmem:$0x8080] =	vst v63  }
0x29: {  	_ = 	snop  }
0x2a: {  	[tilespmem:s11], [sflag:$0x1] =	stream.indirect_vreg.gather [hbm4b:s1+s2], $0x80, v3, vm0, $0xb8;
	[tilespmem:$0x8080] =	vst v63  }
0x2b: {  	v3 =	vld [tilespmem:$0x20];
	_ =	sdelay $0x4  }
0x2c: {  	v58 =	vshll.u32 v3, $0x1  }
0x2d: {  	v3 =	vand.u32 $0x7, v3;
	v4 =	vand.u32 $0xFFFFFFF0, v58  }
0x2e: {  	v3 =	vor.u32 v3, v4  }
0x2f: {  	v4 =	vperm.xlane v3, v0;
	_ =	sdelay $0x1  }
0x30: {  	v3 =	vperm.xlane v3, v2;
	v4 =	vadd.s32 v1, v4;
	_ =	sdelay $0x1  }
0x31: {  	v3 =	vadd.s32 v1, v3;
	_ =	sdelay $0x2  }
0x32: {  	[tilespmem:s12], [sflag:$0x1] =	stream.indirect_vreg.gather [hbm4b:s1+s2], $0x80, v4, vm0, $0xb8;
	[tilespmem:$0x8080] =	vst v63  }
0x33: {  	_ = 	snop  }
0x34: {  	[tilespmem:s13], [sflag:$0x1] =	stream.indirect_vreg.gather [hbm4b:s1+s2], $0x80, v3, vm0, $0xb8;
	[tilespmem:$0x8080] =	vst v63  }
0x35: {  	v3 =	vld [tilespmem:$0x30];
	_ =	sdelay $0x4  }
0x36: {  	v59 =	vshll.u32 v3, $0x1  }
0x37: {  	v3 =	vand.u32 $0x7, v3;
	v4 =	vand.u32 $0xFFFFFFF0, v59  }
0x38: {  	v3 =	vor.u32 v3, v4  }
0x39: {  	v4 =	vperm.xlane v3, v0;
	_ =	sdelay $0x1  }
0x3a: {  	v3 =	vperm.xlane v3, v2;
	v4 =	vadd.s32 v1, v4;
	_ =	sdelay $0x1  }
0x3b: {  	v3 =	vadd.s32 v1, v3;
	_ =	sdelay $0x2  }
0x3c: {  	[tilespmem:s14], [sflag:$0x1] =	stream.indirect_vreg.gather [hbm4b:s1+s2], $0x80, v4, vm0, $0xb8;
	[tilespmem:$0x8080] =	vst v63  }
0x3d: {  	_ = 	snop  }
0x3e: {  	[tilespmem:s15], [sflag:$0x1] =	stream.indirect_vreg.gather [hbm4b:s1+s2], $0x80, v3, vm0, $0xb8;
	[tilespmem:$0x8080] =	vst v63  }
0x3f: {  	v3 =	vld [tilespmem:$0x40];
	_ =	sdelay $0x4  }
0x40: {  	v60 =	vshll.u32 v3, $0x1  }
0x41: {  	v3 =	vand.u32 $0x7, v3;
	v4 =	vand.u32 $0xFFFFFFF0, v60  }
0x42: {  	v3 =	vor.u32 v3, v4  }
0x43: {  	v4 =	vperm.xlane v3, v0;
	_ =	sdelay $0x1  }
0x44: {  	v3 =	vperm.xlane v3, v2;
	v4 =	vadd.s32 v1, v4;
	_ =	sdelay $0x1  }
0x45: {  	v3 =	vadd.s32 v1, v3;
	_ =	sdelay $0x2  }
0x46: {  	[tilespmem:s16], [sflag:$0x1] =	stream.indirect_vreg.gather [hbm4b:s1+s2], $0x80, v4, vm0, $0xb8;
	[tilespmem:$0x8080] =	vst v63  }
0x47: {  	_ = 	snop  }
0x48: {  	[tilespmem:s17], [sflag:$0x1] =	stream.indirect_vreg.gather [hbm4b:s1+s2], $0x80, v3, vm0, $0xb8;
	[tilespmem:$0x8080] =	vst v63  }
0x49: {  	v3 =	vld [tilespmem:$0x50];
	_ =	sdelay $0x4  }
0x4a: {  	v61 =	vshll.u32 v3, $0x1  }
0x4b: {  	v3 =	vand.u32 $0x7, v3;
	v4 =	vand.u32 $0xFFFFFFF0, v61  }
0x4c: {  	v3 =	vor.u32 v3, v4  }
0x4d: {  	v4 =	vperm.xlane v3, v0;
	_ =	sdelay $0x1  }
0x4e: {  	v3 =	vperm.xlane v3, v2;
	v4 =	vadd.s32 v1, v4;
	_ =	sdelay $0x1  }
0x4f: {  	v3 =	vadd.s32 v1, v3;
	_ =	sdelay $0x2  }
0x50: {  	[tilespmem:s18], [sflag:$0x1] =	stream.indirect_vreg.gather [hbm4b:s1+s2], $0x80, v4, vm0, $0xb8;
	[tilespmem:$0x8080] =	vst v63  }
0x51: {  	_ = 	snop  }
0x52: {  	[tilespmem:s19], [sflag:$0x1] =	stream.indirect_vreg.gather [hbm4b:s1+s2], $0x80, v3, vm0, $0xb8;
	[tilespmem:$0x8080] =	vst v63  }
0x53: {  	v3 =	vld [tilespmem:$0x60];
	_ =	sdelay $0x4  }
0x54: {  	v62 =	vshll.u32 v3, $0x1  }
0x55: {  	v3 =	vand.u32 $0x7, v3;
	v4 =	vand.u32 $0xFFFFFFF0, v62  }
0x56: {  	v3 =	vor.u32 v3, v4  }
0x57: {  	v4 =	vperm.xlane v3, v0;
	_ =	sdelay $0x1  }
0x58: {  	v3 =	vperm.xlane v3, v2;
	v4 =	vadd.s32 v1, v4;
	_ =	sdelay $0x1  }
0x59: {  	v3 =	vadd.s32 v1, v3;
	_ =	sdelay $0x2  }
0x5a: {  	[tilespmem:s20], [sflag:$0x1] =	stream.indirect_vreg.gather [hbm4b:s1+s2], $0x80, v4, vm0, $0xb8;
	[tilespmem:$0x8080] =	vst v63  }
0x5b: {  	_ = 	snop  }
0x5c: {  	[tilespmem:s21], [sflag:$0x1] =	stream.indirect_vreg.gather [hbm4b:s1+s2], $0x80, v3, vm0, $0xb8;
	[tilespmem:$0x8080] =	vst v63  }
0x5d: {  	v3 =	vld [tilespmem:$0x70];
	_ =	sdelay $0x4  }
0x5e: {  	v63 =	vshll.u32 v3, $0x1  }
0x5f: {  	v3 =	vand.u32 $0x7, v3;
	v4 =	vand.u32 $0xFFFFFFF0, v63  }
0x60: {  	v3 =	vor.u32 v3, v4  }
0x61: {  	v4 =	vperm.xlane v3, v0;
	_ =	sdelay $0x1  }
0x62: {  	v3 =	vperm.xlane v3, v2;
	v4 =	vadd.s32 v1, v4;
	_ =	sdelay $0x1  }
0x63: {  	v3 =	vadd.s32 v1, v3;
	_ =	sdelay $0x2  }
0x64: {  	[tilespmem:s22], [sflag:$0x1] =	stream.indirect_vreg.gather [hbm4b:s1+s2], $0x80, v4, vm0, $0xb8;
	[tilespmem:$0x8080] =	vst v63  }
0x65: {  	_ = 	snop  }
0x66: {  	[tilespmem:s23], [sflag:$0x1] =	stream.indirect_vreg.gather [hbm4b:s1+s2], $0x80, v3, vm0, $0xb8;
	[tilespmem:$0x8080] =	vst v63  }
0x67: {  	_ =	swait.ge [sflag:s24], $0x8000  }
0x68: {  	p0 =	sne.s32 s28, $0x30;
	[sflag:s24] =	ssyncset.done $0x0  }
.Ltmp0:
0x69: {  	[sflag:s24] =	ssyncadd.s32 $0xFFFF8000;
	(pc) =	sbr.rel @p0 .LBB2_2-.Ltmp0, $4  }
0x6a: {  	[hbm4b:s26+s2] =	stream.linear.scatter [tilespmem:s8], [sflag:$0x2], $0x8000, $0x38;
	[tilespmem:$0x8080] =	vst v63  }
0x6b: {  	_ =	swait.ge [sflag:s7], $0x8000  }
0x6c: {  	[sflag:s7] =	ssyncset.done $0x0  }
0x6d: {  	s28 =	sadd.s32 $0x10, s28;
	s26 =	sadd.s32 $0x1000, s26;
	[sflag:s7] =	ssyncadd.s32 $0xFFFF8000  }
0x6e: {  	s25 =	sadd.s32 $0x1, s25  }
0x6f: {  	p0 =	sne.s32 s25, s4  }
.Ltmp1:
0x70: {  	_ = 	snop;
	(pc) =	sbr.rel @p0 .LBB2_1-.Ltmp1, $1  }
0x71: {  	_ =	sdelay $0x3  }
0x72: {  	_ =	sfence.sel $0x180000  }
0x73: {  	[bflag:$0x0] =	sbarrier.arrive $0xFFFF  }
0x74: {  	p0 =	sne.s32 s3, $0x0;
	_ =	strace $0x90000047  }
0x75: {  	s0 =	sadd.s32 @!p0 $0x100000, s0;
	[bflag:$0x2] =	sbarrier.arrive $0xFFFF  }
0x76: {  	[sflag:s0] =	ssyncadd.tile.s32 @!p0 $0x1;
	_ =	shalt  }
.Lfunc_end2:
_tile_overlayer_lowered:
.L_overlay_start_2:
0x77: {  	(tag) =	ssettag $0x2  }
0x78: {  	s0 =	rddreg [dreg:$0x0];
	s2 =	stileid.u32  }
0x79: {  	s1 =	rddreg [dreg:$0x1];
	p0 =	sne.s32 s2, $0x0  }
0x7a: {  	s3 =	rddreg [dreg:$0x2];
	[bflag:$0x3] =	sbarrier.arrive $0xFFFF;
	s2 =	simm.s32 @!p0 $0x1C02  }
0x7b: {  	[timem:s3], [sflag:s2] =	dma.local @!p0 [hbm:s0], s1  }
0x7c: {  	s0 =	simm.s32 @!p0 $0x2  }
0x7d: {  	_ =	swait.ge @!p0 [sflag:s0], s1  }
0x7e: {  	s1 =	ssub.s32 @!p0 $0x0, s1;
	[sflag:s0] =	ssyncset.done @!p0 $0x0  }
0x7f: {  	[sflag:s0] =	ssyncadd.s32 @!p0 s1  }
0x80: {  	[bflag:$0x3] =	sbarrier.arrive $0xFFFF  }
0x81: {  	_ =	shalt  }

</sc_bundles>
